<compile_context>
chip_gen: v7x
topology: tpu7x:2x2x1
jax: 0.10.2.dev20260603
libtpu: 0.0.44.dev20260713+nightly
codegen_flags: <defaults>
</compile_context>

<pallas_src>
import functools

import jax
import jax.numpy as jnp
from jax import lax
from jax.experimental import pallas as pl
from jax.experimental.pallas import tpu as pltpu
from jax.experimental.pallas import tpu_sc as plsc

_CHUNK = 128


def _tc_transform_table(tableT, At, Bt, gamma2d, beta2d):
    d_in, v = tableT.shape
    _, d_mid = At.shape
    _, d_out = Bt.shape
    blk = 8192
    grid = (v + blk - 1) // blk

    def body(xt_ref, a_ref, b_ref, g_ref, be_ref, out_ref):
        c = jnp.dot(a_ref[...], b_ref[...], preferred_element_type=jnp.float32)
        cm = jnp.mean(c, axis=1, keepdims=True)
        cc = c - cm
        xt = xt_ref[...]
        diff = lax.dot_general(
            xt, cc, (((0,), (0,)), ((), ())), preferred_element_type=jnp.float32
        )
        var = jnp.mean(diff * diff, axis=-1, keepdims=True)
        y = diff * lax.rsqrt(var + 1e-5)
        out_ref[...] = y * g_ref[...] + be_ref[...]

    return pl.pallas_call(
        body,
        grid=(grid,),
        in_specs=[
            pl.BlockSpec((d_in, blk), lambda i: (0, i)),
            pl.BlockSpec((d_in, d_mid), lambda i: (0, 0)),
            pl.BlockSpec((d_mid, d_out), lambda i: (0, 0)),
            pl.BlockSpec((1, d_out), lambda i: (0, 0)),
            pl.BlockSpec((1, d_out), lambda i: (0, 0)),
        ],
        out_specs=pl.BlockSpec((blk, d_out), lambda i: (i, 0)),
        out_shape=jax.ShapeDtypeStruct((v, d_out), jnp.float32),
    )(tableT, At, Bt, gamma2d, beta2d)


def _sc_gather(table, ids2d):
    s, bsz = ids2d.shape
    n = s * bsz
    d = table.shape[1]
    info = plsc.get_sparse_core_info()
    nw = info.num_cores * info.num_subcores
    assert bsz % (nw * _CHUNK) == 0
    n_chunks = s

    nbuf = 5
    assert n_chunks % nbuf == 0
    n_groups = n_chunks // nbuf

    mesh = plsc.VectorSubcoreMesh(core_axis_name="c", subcore_axis_name="s")

    @functools.partial(
        pl.kernel,
        mesh=mesh,
        out_type=jax.ShapeDtypeStruct((n, d), jnp.float32),
        scratch_types=[
            pltpu.VMEM((s, _CHUNK), jnp.int32),
            pltpu.VMEM((nbuf, _CHUNK, d), jnp.float32),
            pltpu.SemaphoreType.DMA((nbuf,)),
            pltpu.SemaphoreType.DMA((nbuf,)),
        ],
        compiler_params=pltpu.CompilerParams(use_tc_tiling_on_sc=True),
    )
    def k(table_hbm, idx_hbm, out_hbm, idx_v, bufs, gsems, ssems):
        wid = lax.axis_index("s") * info.num_cores + lax.axis_index("c")
        col = wid * _CHUNK
        pltpu.sync_copy(idx_hbm.at[pl.ds(0, s), pl.ds(col, _CHUNK)], idx_v)

        def out_slot(g, b):
            off = pl.multiple_of((g * nbuf + b) * bsz + col, _CHUNK)
            return out_hbm.at[pl.ds(off, _CHUNK)]

        def gather(g, b):
            idx_chunk = idx_v.at[g * nbuf + b]
            pltpu.async_copy(table_hbm.at[idx_chunk], bufs.at[b], gsems.at[b])

        @pl.loop(0, n_groups)
        def group(g):
            for b in range(nbuf):
                @pl.when(g > 0)
                def _():
                    pltpu.make_async_copy(
                        bufs.at[b], out_slot(g - 1, b), ssems.at[b]
                    ).wait()

                gather(g, b)
            for b in range(nbuf):
                pltpu.make_async_copy(
                    table_hbm.at[idx_v.at[0]], bufs.at[b], gsems.at[b]
                ).wait()
                pltpu.async_copy(bufs.at[b], out_slot(g, b), ssems.at[b])

        for b in range(nbuf):
            pltpu.make_async_copy(
                bufs.at[b], out_slot(n_groups - 1, b), ssems.at[b]
            ).wait()

    return k(table, ids2d)


def kernel(input_ids, table, A, B, gamma, beta):
    bsz, seq = input_ids.shape
    d_out = B.shape[0]
    transformed = _tc_transform_table(
        table.T, A.T, B.T, gamma.reshape(1, d_out), beta.reshape(1, d_out)
    )
    ids2d = input_ids.T.astype(jnp.int32)
    out = _sc_gather(transformed, ids2d)
    return out.reshape(seq, bsz, d_out).transpose(1, 0, 2)

# --- scband reference (transcript-rebuilt; emitter-appended) ---
"""Pipeline reference for scband-fasttext-embedding-69561290326790 (READ-ONLY COPY).

The authoritative reference and input builder live on the scoring server;
editing this copy changes nothing except your own understanding.
"""

import jax, jax.numpy as jnp
import numpy as np

NUM_EMB = 100000
EMB_DIM = 128
LR_DIM = 32
PAD = 1

def _xavier_normal(key, shape):
    fan_out, fan_in = shape[0], shape[1]
    std = float(np.sqrt(2.0 / (fan_in + fan_out)))
    return jax.random.normal(key, shape, dtype=jnp.float32) * std

def setup_inputs(seed: int = 0) -> dict:
    key = jax.random.key(seed)
    k1, k2, k3, k4, k5, k6 = jax.random.split(key, 6)
    input_ids = jax.random.randint(k1, (4096, 50), 0, NUM_EMB)
    table = _xavier_normal(k2, (NUM_EMB, LR_DIM))
    table = table.at[PAD].set(0.0)
    A = _xavier_normal(k3, (EMB_DIM // 2, LR_DIM))      # torch Linear(32 -> 64) weight [out, in]
    B = _xavier_normal(k4, (EMB_DIM, EMB_DIM // 2))     # torch Linear(64 -> 128) weight [out, in]
    gamma = _xavier_normal(k5, (1, EMB_DIM)).reshape(EMB_DIM)
    beta = _xavier_normal(k6, (1, EMB_DIM)).reshape(EMB_DIM)
    return {"input_ids": input_ids, "table": table, "A": A, "B": B, "gamma": gamma, "beta": beta}

def reference(input_ids, table, A, B, gamma, beta):
    # reduce=False path: tokens = input_ids; embedding = Sequential(Embedding, A, B, LayerNorm)(tokens)
    emb = jnp.take(table, input_ids, axis=0)      # [B, L, 32]
    h = emb @ A.T                                  # [B, L, 64]
    h = h @ B.T                                    # [B, L, 128]
    mean = jnp.mean(h, axis=-1, keepdims=True)
    var = jnp.var(h, axis=-1, keepdims=True)
    h = (h - mean) / jnp.sqrt(var + 1e-5)
    out = h * gamma + beta                         # [B, L, 128]
    return out

if __name__ == "__main__":
    import jax
    _d = setup_inputs()
    print(jax.jit(kernel)(*tuple(_d.values())))

</pallas_src>

<mosaic_0001>
#map = affine_map<(d0, d1) -> (0, 0)>
module attributes {stable_mosaic.version = 14 : i64} {
  func.func @k(%arg0: i32, %arg1: i32, %arg2: memref<100000x128xf32, #tpu.memory_space<hbm>>, %arg3: memref<50x4096xi32, #tpu.memory_space<hbm>>, %arg4: memref<204800x128xf32, #tpu.memory_space<hbm>>, %arg5: memref<50x128xi32, #tpu.memory_space<vmem>>, %arg6: memref<5x128x128xf32, #tpu.memory_space<vmem>>, %arg7: memref<5x!tpu.dma_semaphore, #tpu.memory_space<semaphore_mem>>, %arg8: memref<5x!tpu.dma_semaphore, #tpu.memory_space<semaphore_mem>>) attributes {dimension_semantics = [#tpu.dimension_semantics<core_parallel>, #tpu.dimension_semantics<subcore_parallel>], iteration_bounds = array<i64: 2, 16>, scalar_prefetch = 0 : i64, scratch_operands = 4 : i64, tpu.core_type = #tpu.core_type<sc_vector_subcore>, window_params = [{transform_indices = #map}, {transform_indices = #map}, {transform_indices = #map}]} {
    %mul3A = arith.constant 2 : i32
    %mul3A_0 = arith.muli %arg1, %mul3A : i32
    %add3A = arith.addi %mul3A_0, %arg0 : i32
    %mul3A_1 = arith.constant 128 : i32
    %mul3A_2 = arith.muli %add3A, %mul3A_1 : i32
    "tpu.region"() ({
      %run_scoped3A = tpu.sem_alloc : memref<!tpu.dma_semaphore, #tpu.memory_space<semaphore_mem>>
      %dma_start3A = arith.constant 0 : i32
      %dma_start3A_100 = tpu.memref_slice %arg3[%dma_start3A, %mul3A_2] : memref<50x4096xi32, #tpu.memory_space<hbm>> -> memref<50x128xi32, #tpu.memory_space<hbm>>
      %dma_start3A_101 = arith.constant 0 : i32
      %dma_start3A_102 = tpu.memref_slice %arg3[%dma_start3A_101, %mul3A_2] : memref<50x4096xi32, #tpu.memory_space<hbm>> -> memref<50x128xi32, #tpu.memory_space<hbm>>
      tpu.enqueue_dma source(%dma_start3A_102 : memref<50x128xi32, #tpu.memory_space<hbm>>) target(%arg5 : memref<50x128xi32, #tpu.memory_space<vmem>>) target_semaphore(%run_scoped3A : memref<!tpu.dma_semaphore, #tpu.memory_space<semaphore_mem>>)
      %dma_wait3A_103 = arith.constant 0 : i32
      %dma_wait3A_104 = tpu.memref_slice %arg3[%dma_wait3A_103, %mul3A_2] : memref<50x4096xi32, #tpu.memory_space<hbm>> -> memref<50x128xi32, #tpu.memory_space<hbm>>
      %dma_wait3A_105 = arith.constant 0 : i32
      %dma_wait3A_106 = tpu.memref_slice %arg3[%dma_wait3A_105, %mul3A_2] : memref<50x4096xi32, #tpu.memory_space<hbm>> -> memref<50x128xi32, #tpu.memory_space<hbm>>
      tpu.wait_dma2 semaphore(%run_scoped3A : memref<!tpu.dma_semaphore, #tpu.memory_space<semaphore_mem>>) src(%dma_wait3A_106 : memref<50x128xi32, #tpu.memory_space<hbm>>) dst(%arg5 : memref<50x128xi32, #tpu.memory_space<vmem>>)
      tpu.yield
    }) : () -> ()
    %scan3A = arith.constant 0 : i32
    %scan3A_3 = arith.constant 10 : i32
    %scan3A_4 = arith.addi %scan3A, %scan3A_3 : i32
    %scan3A_5 = arith.constant 1 : i32
    scf.for %scan3A_100 = %scan3A to %scan3A_4 step %scan3A_5  : i32 {
      %mul3A_101 = arith.constant 1 : i32
      %mul3A_102 = arith.muli %scan3A_100, %mul3A_101 : i32
      %add3A_103 = arith.constant 0 : i32
      %add3A_104 = arith.addi %add3A_103, %mul3A_102 : i32
      %gt3A = arith.constant 0 : i32
      %gt3A_105 = arith.cmpi sgt, %add3A_104, %gt3A : i32
      %convert_element_type3A = arith.extui %gt3A_105 : i1 to i32
      %cond3A = arith.constant 0 : i32
      %cond3A_106 = arith.cmpi ne, %convert_element_type3A, %cond3A : i32
      scf.if %cond3A_106 {
        %sub3A = arith.constant 1 : i32
        %sub3A_411 = arith.subi %add3A_104, %sub3A : i32
        %mul3A_412 = arith.constant 5 : i32
        %mul3A_413 = arith.muli %sub3A_411, %mul3A_412 : i32
        %add3A_414 = arith.constant 0 : i32
        %add3A_415 = arith.addi %mul3A_413, %add3A_414 : i32
        %mul3A_416 = arith.constant 4096 : i32
        %mul3A_417 = arith.muli %add3A_415, %mul3A_416 : i32
        %add3A_418 = arith.addi %mul3A_417, %mul3A_2 : i32
        %multiple_of3A_419 = tpu.assume_multiple %add3A_418, 128 : i32
        %dma_wait3A_420 = arith.constant 0 : i32
        %dma_wait3A_421 = arith.constant 0 : i32
        %dma_wait3A_422 = arith.constant 0 : i32
        %dma_wait3A_423 = arith.constant 0 : i32
        %dma_wait3A_424 = tpu.memref_slice %arg6[%dma_wait3A_420, %dma_wait3A_422, %dma_wait3A_423] : memref<5x128x128xf32, #tpu.memory_space<vmem>> -> memref<1x128x128xf32, #tpu.memory_space<vmem>>
        %dma_wait3A_425 = tpu.memref_squeeze %dma_wait3A_424 : memref<1x128x128xf32, #tpu.memory_space<vmem>> -> memref<128x128xf32, #tpu.memory_space<vmem>>
        %dma_wait3A_426 = arith.constant 0 : i32
        %dma_wait3A_427 = tpu.memref_slice %arg4[%multiple_of3A_419, %dma_wait3A_426] : memref<204800x128xf32, #tpu.memory_space<hbm>> -> memref<128x128xf32, #tpu.memory_space<hbm>>
        %dma_wait3A_428 = tpu.memref_slice %arg8[%dma_wait3A_421] : memref<5x!tpu.dma_semaphore, #tpu.memory_space<semaphore_mem>> -> memref<1x!tpu.dma_semaphore, #tpu.memory_space<semaphore_mem>>
        %dma_wait3A_429 = tpu.memref_squeeze %dma_wait3A_428 : memref<1x!tpu.dma_semaphore, #tpu.memory_space<semaphore_mem>> -> memref<!tpu.dma_semaphore, #tpu.memory_space<semaphore_mem>>
        %dma_wait3A_430 = arith.constant 0 : i32
        %dma_wait3A_431 = tpu.memref_slice %arg4[%multiple_of3A_419, %dma_wait3A_430] : memref<204800x128xf32, #tpu.memory_space<hbm>> -> memref<128x128xf32, #tpu.memory_space<hbm>>
        %dma_wait3A_432 = arith.constant 0 : i32
        %dma_wait3A_433 = arith.constant 0 : i32
        %dma_wait3A_434 = tpu.memref_slice %arg6[%dma_wait3A_420, %dma_wait3A_432, %dma_wait3A_433] : memref<5x128x128xf32, #tpu.memory_space<vmem>> -> memref<1x128x128xf32, #tpu.memory_space<vmem>>
        %dma_wait3A_435 = tpu.memref_squeeze %dma_wait3A_434 : memref<1x128x128xf32, #tpu.memory_space<vmem>> -> memref<128x128xf32, #tpu.memory_space<vmem>>
        tpu.wait_dma2 semaphore(%dma_wait3A_429 : memref<!tpu.dma_semaphore, #tpu.memory_space<semaphore_mem>>) src(%dma_wait3A_435 : memref<128x128xf32, #tpu.memory_space<vmem>>) dst(%dma_wait3A_431 : memref<128x128xf32, #tpu.memory_space<hbm>>)
      } else {
      }
      %mul3A_107 = arith.constant 5 : i32
      %mul3A_108 = arith.muli %add3A_104, %mul3A_107 : i32
      %add3A_109 = arith.constant 0 : i32
      %add3A_110 = arith.addi %mul3A_108, %add3A_109 : i32
      %dma_start3A = arith.constant 0 : i32
      %dma_start3A_111 = arith.constant 0 : i32
      %dma_start3A_112 = arith.constant 0 : i32
      %dma_start3A_113 = arith.constant 0 : i32
      %dma_start3A_114 = tpu.memref_slice %arg6[%dma_start3A, %dma_start3A_112, %dma_start3A_113] : memref<5x128x128xf32, #tpu.memory_space<vmem>> -> memref<1x128x128xf32, #tpu.memory_space<vmem>>
      %dma_start3A_115 = tpu.memref_squeeze %dma_start3A_114 : memref<1x128x128xf32, #tpu.memory_space<vmem>> -> memref<128x128xf32, #tpu.memory_space<vmem>>
      %dma_start3A_116 = arith.constant 0 : i32
      %dma_start3A_117 = tpu.memref_slice %arg5[%add3A_110, %dma_start3A_116] : memref<50x128xi32, #tpu.memory_space<vmem>> -> memref<1x128xi32, #tpu.memory_space<vmem>>
      %dma_start3A_118 = tpu.memref_squeeze %dma_start3A_117 : memref<1x128xi32, #tpu.memory_space<vmem>> -> memref<128xi32, #tpu.memory_space<vmem>>
      %dma_start3A_119 = arith.constant 0 : i32
      %dma_start3A_120 = arith.constant 0 : i32
      %dma_start3A_121 = tpu.memref_slice %arg2[%dma_start3A_119, %dma_start3A_120] : memref<100000x128xf32, #tpu.memory_space<hbm>> -> memref<100000x128xf32, #tpu.memory_space<hbm>>
      %dma_start3A_122 = tpu.memref_slice %arg7[%dma_start3A_111] : memref<5x!tpu.dma_semaphore, #tpu.memory_space<semaphore_mem>> -> memref<1x!tpu.dma_semaphore, #tpu.memory_space<semaphore_mem>>
      %dma_start3A_123 = tpu.memref_squeeze %dma_start3A_122 : memref<1x!tpu.dma_semaphore, #tpu.memory_space<semaphore_mem>> -> memref<!tpu.dma_semaphore, #tpu.memory_space<semaphore_mem>>
      tpu.enqueue_indirect_dma source(%dma_start3A_121 : memref<100000x128xf32, #tpu.memory_space<hbm>>) target(%dma_start3A_115 : memref<128x128xf32, #tpu.memory_space<vmem>>) offsets(%dma_start3A_118 : memref<128xi32, #tpu.memory_space<vmem>>) semaphore(%dma_start3A_123 : memref<!tpu.dma_semaphore, #tpu.memory_space<semaphore_mem>>)
      %gt3A_124 = arith.constant 0 : i32
      %gt3A_125 = arith.cmpi sgt, %add3A_104, %gt3A_124 : i32
      %convert_element_type3A_126 = arith.extui %gt3A_125 : i1 to i32
      %cond3A_127 = arith.constant 0 : i32
      %cond3A_128 = arith.cmpi ne, %convert_element_type3A_126, %cond3A_127 : i32
      scf.if %cond3A_128 {
        %sub3A = arith.constant 1 : i32
        %sub3A_411 = arith.subi %add3A_104, %sub3A : i32
        %mul3A_412 = arith.constant 5 : i32
        %mul3A_413 = arith.muli %sub3A_411, %mul3A_412 : i32
        %add3A_414 = arith.constant 1 : i32
        %add3A_415 = arith.addi %mul3A_413, %add3A_414 : i32
        %mul3A_416 = arith.constant 4096 : i32
        %mul3A_417 = arith.muli %add3A_415, %mul3A_416 : i32
        %add3A_418 = arith.addi %mul3A_417, %mul3A_2 : i32
        %multiple_of3A_419 = tpu.assume_multiple %add3A_418, 128 : i32
        %dma_wait3A_420 = arith.constant 1 : i32
        %dma_wait3A_421 = arith.constant 1 : i32
        %dma_wait3A_422 = arith.constant 0 : i32
        %dma_wait3A_423 = arith.constant 0 : i32
        %dma_wait3A_424 = tpu.memref_slice %arg6[%dma_wait3A_420, %dma_wait3A_422, %dma_wait3A_423] : memref<5x128x128xf32, #tpu.memory_space<vmem>> -> memref<1x128x128xf32, #tpu.memory_space<vmem>>
        %dma_wait3A_425 = tpu.memref_squeeze %dma_wait3A_424 : memref<1x128x128xf32, #tpu.memory_space<vmem>> -> memref<128x128xf32, #tpu.memory_space<vmem>>
        %dma_wait3A_426 = arith.constant 0 : i32
        %dma_wait3A_427 = tpu.memref_slice %arg4[%multiple_of3A_419, %dma_wait3A_426] : memref<204800x128xf32, #tpu.memory_space<hbm>> -> memref<128x128xf32, #tpu.memory_space<hbm>>
        %dma_wait3A_428 = tpu.memref_slice %arg8[%dma_wait3A_421] : memref<5x!tpu.dma_semaphore, #tpu.memory_space<semaphore_mem>> -> memref<1x!tpu.dma_semaphore, #tpu.memory_space<semaphore_mem>>
        %dma_wait3A_429 = tpu.memref_squeeze %dma_wait3A_428 : memref<1x!tpu.dma_semaphore, #tpu.memory_space<semaphore_mem>> -> memref<!tpu.dma_semaphore, #tpu.memory_space<semaphore_mem>>
        %dma_wait3A_430 = arith.constant 0 : i32
        %dma_wait3A_431 = tpu.memref_slice %arg4[%multiple_of3A_419, %dma_wait3A_430] : memref<204800x128xf32, #tpu.memory_space<hbm>> -> memref<128x128xf32, #tpu.memory_space<hbm>>
        %dma_wait3A_432 = arith.constant 0 : i32
        %dma_wait3A_433 = arith.constant 0 : i32
        %dma_wait3A_434 = tpu.memref_slice %arg6[%dma_wait3A_420, %dma_wait3A_432, %dma_wait3A_433] : memref<5x128x128xf32, #tpu.memory_space<vmem>> -> memref<1x128x128xf32, #tpu.memory_space<vmem>>
        %dma_wait3A_435 = tpu.memref_squeeze %dma_wait3A_434 : memref<1x128x128xf32, #tpu.memory_space<vmem>> -> memref<128x128xf32, #tpu.memory_space<vmem>>
        tpu.wait_dma2 semaphore(%dma_wait3A_429 : memref<!tpu.dma_semaphore, #tpu.memory_space<semaphore_mem>>) src(%dma_wait3A_435 : memref<128x128xf32, #tpu.memory_space<vmem>>) dst(%dma_wait3A_431 : memref<128x128xf32, #tpu.memory_space<hbm>>)
      } else {
      }
      %mul3A_129 = arith.constant 5 : i32
      %mul3A_130 = arith.muli %add3A_104, %mul3A_129 : i32
      %add3A_131 = arith.constant 1 : i32
      %add3A_132 = arith.addi %mul3A_130, %add3A_131 : i32
      %dma_start3A_133 = arith.constant 1 : i32
      %dma_start3A_134 = arith.constant 1 : i32
      %dma_start3A_135 = arith.constant 0 : i32
      %dma_start3A_136 = arith.constant 0 : i32
      %dma_start3A_137 = tpu.memref_slice %arg6[%dma_start3A_133, %dma_start3A_135, %dma_start3A_136] : memref<5x128x128xf32, #tpu.memory_space<vmem>> -> memref<1x128x128xf32, #tpu.memory_space<vmem>>
      %dma_start3A_138 = tpu.memref_squeeze %dma_start3A_137 : memref<1x128x128xf32, #tpu.memory_space<vmem>> -> memref<128x128xf32, #tpu.memory_space<vmem>>
      %dma_start3A_139 = arith.constant 0 : i32
      %dma_start3A_140 = tpu.memref_slice %arg5[%add3A_132, %dma_start3A_139] : memref<50x128xi32, #tpu.memory_space<vmem>> -> memref<1x128xi32, #tpu.memory_space<vmem>>
      %dma_start3A_141 = tpu.memref_squeeze %dma_start3A_140 : memref<1x128xi32, #tpu.memory_space<vmem>> -> memref<128xi32, #tpu.memory_space<vmem>>
      %dma_start3A_142 = arith.constant 0 : i32
      %dma_start3A_143 = arith.constant 0 : i32
      %dma_start3A_144 = tpu.memref_slice %arg2[%dma_start3A_142, %dma_start3A_143] : memref<100000x128xf32, #tpu.memory_space<hbm>> -> memref<100000x128xf32, #tpu.memory_space<hbm>>
      %dma_start3A_145 = tpu.memref_slice %arg7[%dma_start3A_134] : memref<5x!tpu.dma_semaphore, #tpu.memory_space<semaphore_mem>> -> memref<1x!tpu.dma_semaphore, #tpu.memory_space<semaphore_mem>>
      %dma_start3A_146 = tpu.memref_squeeze %dma_start3A_145 : memref<1x!tpu.dma_semaphore, #tpu.memory_space<semaphore_mem>> -> memref<!tpu.dma_semaphore, #tpu.memory_space<semaphore_mem>>
      tpu.enqueue_indirect_dma source(%dma_start3A_144 : memref<100000x128xf32, #tpu.memory_space<hbm>>) target(%dma_start3A_138 : memref<128x128xf32, #tpu.memory_space<vmem>>) offsets(%dma_start3A_141 : memref<128xi32, #tpu.memory_space<vmem>>) semaphore(%dma_start3A_146 : memref<!tpu.dma_semaphore, #tpu.memory_space<semaphore_mem>>)
      %gt3A_147 = arith.constant 0 : i32
      %gt3A_148 = arith.cmpi sgt, %add3A_104, %gt3A_147 : i32
      %convert_element_type3A_149 = arith.extui %gt3A_148 : i1 to i32
      %cond3A_150 = arith.constant 0 : i32
      %cond3A_151 = arith.cmpi ne, %convert_element_type3A_149, %cond3A_150 : i32
      scf.if %cond3A_151 {
        %sub3A = arith.constant 1 : i32
        %sub3A_411 = arith.subi %add3A_104, %sub3A : i32
        %mul3A_412 = arith.constant 5 : i32
        %mul3A_413 = arith.muli %sub3A_411, %mul3A_412 : i32
        %add3A_414 = arith.constant 2 : i32
        %add3A_415 = arith.addi %mul3A_413, %add3A_414 : i32
        %mul3A_416 = arith.constant 4096 : i32
        %mul3A_417 = arith.muli %add3A_415, %mul3A_416 : i32
        %add3A_418 = arith.addi %mul3A_417, %mul3A_2 : i32
        %multiple_of3A_419 = tpu.assume_multiple %add3A_418, 128 : i32
        %dma_wait3A_420 = arith.constant 2 : i32
        %dma_wait3A_421 = arith.constant 2 : i32
        %dma_wait3A_422 = arith.constant 0 : i32
        %dma_wait3A_423 = arith.constant 0 : i32
        %dma_wait3A_424 = tpu.memref_slice %arg6[%dma_wait3A_420, %dma_wait3A_422, %dma_wait3A_423] : memref<5x128x128xf32, #tpu.memory_space<vmem>> -> memref<1x128x128xf32, #tpu.memory_space<vmem>>
        %dma_wait3A_425 = tpu.memref_squeeze %dma_wait3A_424 : memref<1x128x128xf32, #tpu.memory_space<vmem>> -> memref<128x128xf32, #tpu.memory_space<vmem>>
        %dma_wait3A_426 = arith.constant 0 : i32
        %dma_wait3A_427 = tpu.memref_slice %arg4[%multiple_of3A_419, %dma_wait3A_426] : memref<204800x128xf32, #tpu.memory_space<hbm>> -> memref<128x128xf32, #tpu.memory_space<hbm>>
        %dma_wait3A_428 = tpu.memref_slice %arg8[%dma_wait3A_421] : memref<5x!tpu.dma_semaphore, #tpu.memory_space<semaphore_mem>> -> memref<1x!tpu.dma_semaphore, #tpu.memory_space<semaphore_mem>>
        %dma_wait3A_429 = tpu.memref_squeeze %dma_wait3A_428 : memref<1x!tpu.dma_semaphore, #tpu.memory_space<semaphore_mem>> -> memref<!tpu.dma_semaphore, #tpu.memory_space<semaphore_mem>>
        %dma_wait3A_430 = arith.constant 0 : i32
        %dma_wait3A_431 = tpu.memref_slice %arg4[%multiple_of3A_419, %dma_wait3A_430] : memref<204800x128xf32, #tpu.memory_space<hbm>> -> memref<128x128xf32, #tpu.memory_space<hbm>>
        %dma_wait3A_432 = arith.constant 0 : i32
        %dma_wait3A_433 = arith.constant 0 : i32
        %dma_wait3A_434 = tpu.memref_slice %arg6[%dma_wait3A_420, %dma_wait3A_432, %dma_wait3A_433] : memref<5x128x128xf32, #tpu.memory_space<vmem>> -> memref<1x128x128xf32, #tpu.memory_space<vmem>>
        %dma_wait3A_435 = tpu.memref_squeeze %dma_wait3A_434 : memref<1x128x128xf32, #tpu.memory_space<vmem>> -> memref<128x128xf32, #tpu.memory_space<vmem>>
        tpu.wait_dma2 semaphore(%dma_wait3A_429 : memref<!tpu.dma_semaphore, #tpu.memory_space<semaphore_mem>>) src(%dma_wait3A_435 : memref<128x128xf32, #tpu.memory_space<vmem>>) dst(%dma_wait3A_431 : memref<128x128xf32, #tpu.memory_space<hbm>>)
      } else {
      }
      %mul3A_152 = arith.constant 5 : i32
      %mul3A_153 = arith.muli %add3A_104, %mul3A_152 : i32
      %add3A_154 = arith.constant 2 : i32
      %add3A_155 = arith.addi %mul3A_153, %add3A_154 : i32
      %dma_start3A_156 = arith.constant 2 : i32
      %dma_start3A_157 = arith.constant 2 : i32
      %dma_start3A_158 = arith.constant 0 : i32
      %dma_start3A_159 = arith.constant 0 : i32
      %dma_start3A_160 = tpu.memref_slice %arg6[%dma_start3A_156, %dma_start3A_158, %dma_start3A_159] : memref<5x128x128xf32, #tpu.memory_space<vmem>> -> memref<1x128x128xf32, #tpu.memory_space<vmem>>
      %dma_start3A_161 = tpu.memref_squeeze %dma_start3A_160 : memref<1x128x128xf32, #tpu.memory_space<vmem>> -> memref<128x128xf32, #tpu.memory_space<vmem>>
      %dma_start3A_162 = arith.constant 0 : i32
      %dma_start3A_163 = tpu.memref_slice %arg5[%add3A_155, %dma_start3A_162] : memref<50x128xi32, #tpu.memory_space<vmem>> -> memref<1x128xi32, #tpu.memory_space<vmem>>
      %dma_start3A_164 = tpu.memref_squeeze %dma_start3A_163 : memref<1x128xi32, #tpu.memory_space<vmem>> -> memref<128xi32, #tpu.memory_space<vmem>>
      %dma_start3A_165 = arith.constant 0 : i32
      %dma_start3A_166 = arith.constant 0 : i32
      %dma_start3A_167 = tpu.memref_slice %arg2[%dma_start3A_165, %dma_start3A_166] : memref<100000x128xf32, #tpu.memory_space<hbm>> -> memref<100000x128xf32, #tpu.memory_space<hbm>>
      %dma_start3A_168 = tpu.memref_slice %arg7[%dma_start3A_157] : memref<5x!tpu.dma_semaphore, #tpu.memory_space<semaphore_mem>> -> memref<1x!tpu.dma_semaphore, #tpu.memory_space<semaphore_mem>>
      %dma_start3A_169 = tpu.memref_squeeze %dma_start3A_168 : memref<1x!tpu.dma_semaphore, #tpu.memory_space<semaphore_mem>> -> memref<!tpu.dma_semaphore, #tpu.memory_space<semaphore_mem>>
      tpu.enqueue_indirect_dma source(%dma_start3A_167 : memref<100000x128xf32, #tpu.memory_space<hbm>>) target(%dma_start3A_161 : memref<128x128xf32, #tpu.memory_space<vmem>>) offsets(%dma_start3A_164 : memref<128xi32, #tpu.memory_space<vmem>>) semaphore(%dma_start3A_169 : memref<!tpu.dma_semaphore, #tpu.memory_space<semaphore_mem>>)
      %gt3A_170 = arith.constant 0 : i32
      %gt3A_171 = arith.cmpi sgt, %add3A_104, %gt3A_170 : i32
      %convert_element_type3A_172 = arith.extui %gt3A_171 : i1 to i32
      %cond3A_173 = arith.constant 0 : i32
      %cond3A_174 = arith.cmpi ne, %convert_element_type3A_172, %cond3A_173 : i32
      scf.if %cond3A_174 {
        %sub3A = arith.constant 1 : i32
        %sub3A_411 = arith.subi %add3A_104, %sub3A : i32
        %mul3A_412 = arith.constant 5 : i32
        %mul3A_413 = arith.muli %sub3A_411, %mul3A_412 : i32
        %add3A_414 = arith.constant 3 : i32
        %add3A_415 = arith.addi %mul3A_413, %add3A_414 : i32
        %mul3A_416 = arith.constant 4096 : i32
        %mul3A_417 = arith.muli %add3A_415, %mul3A_416 : i32
        %add3A_418 = arith.addi %mul3A_417, %mul3A_2 : i32
        %multiple_of3A_419 = tpu.assume_multiple %add3A_418, 128 : i32
        %dma_wait3A_420 = arith.constant 3 : i32
        %dma_wait3A_421 = arith.constant 3 : i32
        %dma_wait3A_422 = arith.constant 0 : i32
        %dma_wait3A_423 = arith.constant 0 : i32
        %dma_wait3A_424 = tpu.memref_slice %arg6[%dma_wait3A_420, %dma_wait3A_422, %dma_wait3A_423] : memref<5x128x128xf32, #tpu.memory_space<vmem>> -> memref<1x128x128xf32, #tpu.memory_space<vmem>>
        %dma_wait3A_425 = tpu.memref_squeeze %dma_wait3A_424 : memref<1x128x128xf32, #tpu.memory_space<vmem>> -> memref<128x128xf32, #tpu.memory_space<vmem>>
        %dma_wait3A_426 = arith.constant 0 : i32
        %dma_wait3A_427 = tpu.memref_slice %arg4[%multiple_of3A_419, %dma_wait3A_426] : memref<204800x128xf32, #tpu.memory_space<hbm>> -> memref<128x128xf32, #tpu.memory_space<hbm>>
        %dma_wait3A_428 = tpu.memref_slice %arg8[%dma_wait3A_421] : memref<5x!tpu.dma_semaphore, #tpu.memory_space<semaphore_mem>> -> memref<1x!tpu.dma_semaphore, #tpu.memory_space<semaphore_mem>>
        %dma_wait3A_429 = tpu.memref_squeeze %dma_wait3A_428 : memref<1x!tpu.dma_semaphore, #tpu.memory_space<semaphore_mem>> -> memref<!tpu.dma_semaphore, #tpu.memory_space<semaphore_mem>>
        %dma_wait3A_430 = arith.constant 0 : i32
        %dma_wait3A_431 = tpu.memref_slice %arg4[%multiple_of3A_419, %dma_wait3A_430] : memref<204800x128xf32, #tpu.memory_space<hbm>> -> memref<128x128xf32, #tpu.memory_space<hbm>>
        %dma_wait3A_432 = arith.constant 0 : i32
        %dma_wait3A_433 = arith.constant 0 : i32
        %dma_wait3A_434 = tpu.memref_slice %arg6[%dma_wait3A_420, %dma_wait3A_432, %dma_wait3A_433] : memref<5x128x128xf32, #tpu.memory_space<vmem>> -> memref<1x128x128xf32, #tpu.memory_space<vmem>>
        %dma_wait3A_435 = tpu.memref_squeeze %dma_wait3A_434 : memref<1x128x128xf32, #tpu.memory_space<vmem>> -> memref<128x128xf32, #tpu.memory_space<vmem>>
        tpu.wait_dma2 semaphore(%dma_wait3A_429 : memref<!tpu.dma_semaphore, #tpu.memory_space<semaphore_mem>>) src(%dma_wait3A_435 : memref<128x128xf32, #tpu.memory_space<vmem>>) dst(%dma_wait3A_431 : memref<128x128xf32, #tpu.memory_space<hbm>>)
      } else {
      }
      %mul3A_175 = arith.constant 5 : i32
      %mul3A_176 = arith.muli %add3A_104, %mul3A_175 : i32
      %add3A_177 = arith.constant 3 : i32
      %add3A_178 = arith.addi %mul3A_176, %add3A_177 : i32
      %dma_start3A_179 = arith.constant 3 : i32
      %dma_start3A_180 = arith.constant 3 : i32
      %dma_start3A_181 = arith.constant 0 : i32
      %dma_start3A_182 = arith.constant 0 : i32
      %dma_start3A_183 = tpu.memref_slice %arg6[%dma_start3A_179, %dma_start3A_181, %dma_start3A_182] : memref<5x128x128xf32, #tpu.memory_space<vmem>> -> memref<1x128x128xf32, #tpu.memory_space<vmem>>
      %dma_start3A_184 = tpu.memref_squeeze %dma_start3A_183 : memref<1x128x128xf32, #tpu.memory_space<vmem>> -> memref<128x128xf32, #tpu.memory_space<vmem>>
      %dma_start3A_185 = arith.constant 0 : i32
      %dma_start3A_186 = tpu.memref_slice %arg5[%add3A_178, %dma_start3A_185] : memref<50x128xi32, #tpu.memory_space<vmem>> -> memref<1x128xi32, #tpu.memory_space<vmem>>
      %dma_start3A_187 = tpu.memref_squeeze %dma_start3A_186 : memref<1x128xi32, #tpu.memory_space<vmem>> -> memref<128xi32, #tpu.memory_space<vmem>>
      %dma_start3A_188 = arith.constant 0 : i32
      %dma_start3A_189 = arith.constant 0 : i32
      %dma_start3A_190 = tpu.memref_slice %arg2[%dma_start3A_188, %dma_start3A_189] : memref<100000x128xf32, #tpu.memory_space<hbm>> -> memref<100000x128xf32, #tpu.memory_space<hbm>>
      %dma_start3A_191 = tpu.memref_slice %arg7[%dma_start3A_180] : memref<5x!tpu.dma_semaphore, #tpu.memory_space<semaphore_mem>> -> memref<1x!tpu.dma_semaphore, #tpu.memory_space<semaphore_mem>>
      %dma_start3A_192 = tpu.memref_squeeze %dma_start3A_191 : memref<1x!tpu.dma_semaphore, #tpu.memory_space<semaphore_mem>> -> memref<!tpu.dma_semaphore, #tpu.memory_space<semaphore_mem>>
      tpu.enqueue_indirect_dma source(%dma_start3A_190 : memref<100000x128xf32, #tpu.memory_space<hbm>>) target(%dma_start3A_184 : memref<128x128xf32, #tpu.memory_space<vmem>>) offsets(%dma_start3A_187 : memref<128xi32, #tpu.memory_space<vmem>>) semaphore(%dma_start3A_192 : memref<!tpu.dma_semaphore, #tpu.memory_space<semaphore_mem>>)
      %gt3A_193 = arith.constant 0 : i32
      %gt3A_194 = arith.cmpi sgt, %add3A_104, %gt3A_193 : i32
      %convert_element_type3A_195 = arith.extui %gt3A_194 : i1 to i32
      %cond3A_196 = arith.constant 0 : i32
      %cond3A_197 = arith.cmpi ne, %convert_element_type3A_195, %cond3A_196 : i32
      scf.if %cond3A_197 {
        %sub3A = arith.constant 1 : i32
        %sub3A_411 = arith.subi %add3A_104, %sub3A : i32
        %mul3A_412 = arith.constant 5 : i32
        %mul3A_413 = arith.muli %sub3A_411, %mul3A_412 : i32
        %add3A_414 = arith.constant 4 : i32
        %add3A_415 = arith.addi %mul3A_413, %add3A_414 : i32
        %mul3A_416 = arith.constant 4096 : i32
        %mul3A_417 = arith.muli %add3A_415, %mul3A_416 : i32
        %add3A_418 = arith.addi %mul3A_417, %mul3A_2 : i32
        %multiple_of3A_419 = tpu.assume_multiple %add3A_418, 128 : i32
        %dma_wait3A_420 = arith.constant 4 : i32
        %dma_wait3A_421 = arith.constant 4 : i32
        %dma_wait3A_422 = arith.constant 0 : i32
        %dma_wait3A_423 = arith.constant 0 : i32
        %dma_wait3A_424 = tpu.memref_slice %arg6[%dma_wait3A_420, %dma_wait3A_422, %dma_wait3A_423] : memref<5x128x128xf32, #tpu.memory_space<vmem>> -> memref<1x128x128xf32, #tpu.memory_space<vmem>>
        %dma_wait3A_425 = tpu.memref_squeeze %dma_wait3A_424 : memref<1x128x128xf32, #tpu.memory_space<vmem>> -> memref<128x128xf32, #tpu.memory_space<vmem>>
        %dma_wait3A_426 = arith.constant 0 : i32
        %dma_wait3A_427 = tpu.memref_slice %arg4[%multiple_of3A_419, %dma_wait3A_426] : memref<204800x128xf32, #tpu.memory_space<hbm>> -> memref<128x128xf32, #tpu.memory_space<hbm>>
        %dma_wait3A_428 = tpu.memref_slice %arg8[%dma_wait3A_421] : memref<5x!tpu.dma_semaphore, #tpu.memory_space<semaphore_mem>> -> memref<1x!tpu.dma_semaphore, #tpu.memory_space<semaphore_mem>>
        %dma_wait3A_429 = tpu.memref_squeeze %dma_wait3A_428 : memref<1x!tpu.dma_semaphore, #tpu.memory_space<semaphore_mem>> -> memref<!tpu.dma_semaphore, #tpu.memory_space<semaphore_mem>>
        %dma_wait3A_430 = arith.constant 0 : i32
        %dma_wait3A_431 = tpu.memref_slice %arg4[%multiple_of3A_419, %dma_wait3A_430] : memref<204800x128xf32, #tpu.memory_space<hbm>> -> memref<128x128xf32, #tpu.memory_space<hbm>>
        %dma_wait3A_432 = arith.constant 0 : i32
        %dma_wait3A_433 = arith.constant 0 : i32
        %dma_wait3A_434 = tpu.memref_slice %arg6[%dma_wait3A_420, %dma_wait3A_432, %dma_wait3A_433] : memref<5x128x128xf32, #tpu.memory_space<vmem>> -> memref<1x128x128xf32, #tpu.memory_space<vmem>>
        %dma_wait3A_435 = tpu.memref_squeeze %dma_wait3A_434 : memref<1x128x128xf32, #tpu.memory_space<vmem>> -> memref<128x128xf32, #tpu.memory_space<vmem>>
        tpu.wait_dma2 semaphore(%dma_wait3A_429 : memref<!tpu.dma_semaphore, #tpu.memory_space<semaphore_mem>>) src(%dma_wait3A_435 : memref<128x128xf32, #tpu.memory_space<vmem>>) dst(%dma_wait3A_431 : memref<128x128xf32, #tpu.memory_space<hbm>>)
      } else {
      }
      %mul3A_198 = arith.constant 5 : i32
      %mul3A_199 = arith.muli %add3A_104, %mul3A_198 : i32
      %add3A_200 = arith.constant 4 : i32
      %add3A_201 = arith.addi %mul3A_199, %add3A_200 : i32
      %dma_start3A_202 = arith.constant 4 : i32
      %dma_start3A_203 = arith.constant 4 : i32
      %dma_start3A_204 = arith.constant 0 : i32
      %dma_start3A_205 = arith.constant 0 : i32
      %dma_start3A_206 = tpu.memref_slice %arg6[%dma_start3A_202, %dma_start3A_204, %dma_start3A_205] : memref<5x128x128xf32, #tpu.memory_space<vmem>> -> memref<1x128x128xf32, #tpu.memory_space<vmem>>
      %dma_start3A_207 = tpu.memref_squeeze %dma_start3A_206 : memref<1x128x128xf32, #tpu.memory_space<vmem>> -> memref<128x128xf32, #tpu.memory_space<vmem>>
      %dma_start3A_208 = arith.constant 0 : i32
      %dma_start3A_209 = tpu.memref_slice %arg5[%add3A_201, %dma_start3A_208] : memref<50x128xi32, #tpu.memory_space<vmem>> -> memref<1x128xi32, #tpu.memory_space<vmem>>
      %dma_start3A_210 = tpu.memref_squeeze %dma_start3A_209 : memref<1x128xi32, #tpu.memory_space<vmem>> -> memref<128xi32, #tpu.memory_space<vmem>>
      %dma_start3A_211 = arith.constant 0 : i32
      %dma_start3A_212 = arith.constant 0 : i32
      %dma_start3A_213 = tpu.memref_slice %arg2[%dma_start3A_211, %dma_start3A_212] : memref<100000x128xf32, #tpu.memory_space<hbm>> -> memref<100000x128xf32, #tpu.memory_space<hbm>>
      %dma_start3A_214 = tpu.memref_slice %arg7[%dma_start3A_203] : memref<5x!tpu.dma_semaphore, #tpu.memory_space<semaphore_mem>> -> memref<1x!tpu.dma_semaphore, #tpu.memory_space<semaphore_mem>>
      %dma_start3A_215 = tpu.memref_squeeze %dma_start3A_214 : memref<1x!tpu.dma_semaphore, #tpu.memory_space<semaphore_mem>> -> memref<!tpu.dma_semaphore, #tpu.memory_space<semaphore_mem>>
      tpu.enqueue_indirect_dma source(%dma_start3A_213 : memref<100000x128xf32, #tpu.memory_space<hbm>>) target(%dma_start3A_207 : memref<128x128xf32, #tpu.memory_space<vmem>>) offsets(%dma_start3A_210 : memref<128xi32, #tpu.memory_space<vmem>>) semaphore(%dma_start3A_215 : memref<!tpu.dma_semaphore, #tpu.memory_space<semaphore_mem>>)
      %dma_wait3A_216 = arith.constant 0 : i32
      %dma_wait3A_217 = arith.constant 0 : i32
      %dma_wait3A_218 = arith.constant 0 : i32
      %dma_wait3A_219 = arith.constant 0 : i32
      %dma_wait3A_220 = arith.constant 0 : i32
      %dma_wait3A_221 = tpu.memref_slice %arg6[%dma_wait3A_217, %dma_wait3A_219, %dma_wait3A_220] : memref<5x128x128xf32, #tpu.memory_space<vmem>> -> memref<1x128x128xf32, #tpu.memory_space<vmem>>
      %dma_wait3A_222 = tpu.memref_squeeze %dma_wait3A_221 : memref<1x128x128xf32, #tpu.memory_space<vmem>> -> memref<128x128xf32, #tpu.memory_space<vmem>>
      %dma_wait3A_223 = arith.constant 0 : i32
      %dma_wait3A_224 = tpu.memref_slice %arg5[%dma_wait3A_216, %dma_wait3A_223] : memref<50x128xi32, #tpu.memory_space<vmem>> -> memref<1x128xi32, #tpu.memory_space<vmem>>
      %dma_wait3A_225 = tpu.memref_squeeze %dma_wait3A_224 : memref<1x128xi32, #tpu.memory_space<vmem>> -> memref<128xi32, #tpu.memory_space<vmem>>
      %dma_wait3A_226 = arith.constant 0 : i32
      %dma_wait3A_227 = arith.constant 0 : i32
      %dma_wait3A_228 = tpu.memref_slice %arg2[%dma_wait3A_226, %dma_wait3A_227] : memref<100000x128xf32, #tpu.memory_space<hbm>> -> memref<100000x128xf32, #tpu.memory_space<hbm>>
      %dma_wait3A_229 = tpu.memref_slice %arg7[%dma_wait3A_218] : memref<5x!tpu.dma_semaphore, #tpu.memory_space<semaphore_mem>> -> memref<1x!tpu.dma_semaphore, #tpu.memory_space<semaphore_mem>>
      %dma_wait3A_230 = tpu.memref_squeeze %dma_wait3A_229 : memref<1x!tpu.dma_semaphore, #tpu.memory_space<semaphore_mem>> -> memref<!tpu.dma_semaphore, #tpu.memory_space<semaphore_mem>>
      tpu.wait_indirect_dma semaphore(%dma_wait3A_230 : memref<!tpu.dma_semaphore, #tpu.memory_space<semaphore_mem>>) src(%dma_wait3A_228 : memref<100000x128xf32, #tpu.memory_space<hbm>>) dst(%dma_wait3A_222 : memref<128x128xf32, #tpu.memory_space<vmem>>)
      %mul3A_231 = arith.constant 5 : i32
      %mul3A_232 = arith.muli %add3A_104, %mul3A_231 : i32
      %add3A_233 = arith.constant 0 : i32
      %add3A_234 = arith.addi %mul3A_232, %add3A_233 : i32
      %mul3A_235 = arith.constant 4096 : i32
      %mul3A_236 = arith.muli %add3A_234, %mul3A_235 : i32
      %add3A_237 = arith.addi %mul3A_236, %mul3A_2 : i32
      %multiple_of3A_238 = tpu.assume_multiple %add3A_237, 128 : i32
      %dma_start3A_239 = arith.constant 0 : i32
      %dma_start3A_240 = arith.constant 0 : i32
      %dma_start3A_241 = arith.constant 0 : i32
      %dma_start3A_242 = arith.constant 0 : i32
      %dma_start3A_243 = tpu.memref_slice %arg6[%dma_start3A_239, %dma_start3A_241, %dma_start3A_242] : memref<5x128x128xf32, #tpu.memory_space<vmem>> -> memref<1x128x128xf32, #tpu.memory_space<vmem>>
      %dma_start3A_244 = tpu.memref_squeeze %dma_start3A_243 : memref<1x128x128xf32, #tpu.memory_space<vmem>> -> memref<128x128xf32, #tpu.memory_space<vmem>>
      %dma_start3A_245 = arith.constant 0 : i32
      %dma_start3A_246 = tpu.memref_slice %arg4[%multiple_of3A_238, %dma_start3A_245] : memref<204800x128xf32, #tpu.memory_space<hbm>> -> memref<128x128xf32, #tpu.memory_space<hbm>>
      %dma_start3A_247 = tpu.memref_slice %arg8[%dma_start3A_240] : memref<5x!tpu.dma_semaphore, #tpu.memory_space<semaphore_mem>> -> memref<1x!tpu.dma_semaphore, #tpu.memory_space<semaphore_mem>>
      %dma_start3A_248 = tpu.memref_squeeze %dma_start3A_247 : memref<1x!tpu.dma_semaphore, #tpu.memory_space<semaphore_mem>> -> memref<!tpu.dma_semaphore, #tpu.memory_space<semaphore_mem>>
      %dma_start3A_249 = arith.constant 0 : i32
      %dma_start3A_250 = tpu.memref_slice %arg4[%multiple_of3A_238, %dma_start3A_249] : memref<204800x128xf32, #tpu.memory_space<hbm>> -> memref<128x128xf32, #tpu.memory_space<hbm>>
      %dma_start3A_251 = arith.constant 0 : i32
      %dma_start3A_252 = arith.constant 0 : i32
      %dma_start3A_253 = tpu.memref_slice %arg6[%dma_start3A_239, %dma_start3A_251, %dma_start3A_252] : memref<5x128x128xf32, #tpu.memory_space<vmem>> -> memref<1x128x128xf32, #tpu.memory_space<vmem>>
      %dma_start3A_254 = tpu.memref_squeeze %dma_start3A_253 : memref<1x128x128xf32, #tpu.memory_space<vmem>> -> memref<128x128xf32, #tpu.memory_space<vmem>>
      tpu.enqueue_dma source(%dma_start3A_254 : memref<128x128xf32, #tpu.memory_space<vmem>>) target(%dma_start3A_250 : memref<128x128xf32, #tpu.memory_space<hbm>>) target_semaphore(%dma_start3A_248 : memref<!tpu.dma_semaphore, #tpu.memory_space<semaphore_mem>>)
      %dma_wait3A_255 = arith.constant 0 : i32
      %dma_wait3A_256 = arith.constant 1 : i32
      %dma_wait3A_257 = arith.constant 1 : i32
      %dma_wait3A_258 = arith.constant 0 : i32
      %dma_wait3A_259 = arith.constant 0 : i32
      %dma_wait3A_260 = tpu.memref_slice %arg6[%dma_wait3A_256, %dma_wait3A_258, %dma_wait3A_259] : memref<5x128x128xf32, #tpu.memory_space<vmem>> -> memref<1x128x128xf32, #tpu.memory_space<vmem>>
      %dma_wait3A_261 = tpu.memref_squeeze %dma_wait3A_260 : memref<1x128x128xf32, #tpu.memory_space<vmem>> -> memref<128x128xf32, #tpu.memory_space<vmem>>
      %dma_wait3A_262 = arith.constant 0 : i32
      %dma_wait3A_263 = tpu.memref_slice %arg5[%dma_wait3A_255, %dma_wait3A_262] : memref<50x128xi32, #tpu.memory_space<vmem>> -> memref<1x128xi32, #tpu.memory_space<vmem>>
      %dma_wait3A_264 = tpu.memref_squeeze %dma_wait3A_263 : memref<1x128xi32, #tpu.memory_space<vmem>> -> memref<128xi32, #tpu.memory_space<vmem>>
      %dma_wait3A_265 = arith.constant 0 : i32
      %dma_wait3A_266 = arith.constant 0 : i32
      %dma_wait3A_267 = tpu.memref_slice %arg2[%dma_wait3A_265, %dma_wait3A_266] : memref<100000x128xf32, #tpu.memory_space<hbm>> -> memref<100000x128xf32, #tpu.memory_space<hbm>>
      %dma_wait3A_268 = tpu.memref_slice %arg7[%dma_wait3A_257] : memref<5x!tpu.dma_semaphore, #tpu.memory_space<semaphore_mem>> -> memref<1x!tpu.dma_semaphore, #tpu.memory_space<semaphore_mem>>
      %dma_wait3A_269 = tpu.memref_squeeze %dma_wait3A_268 : memref<1x!tpu.dma_semaphore, #tpu.memory_space<semaphore_mem>> -> memref<!tpu.dma_semaphore, #tpu.memory_space<semaphore_mem>>
      tpu.wait_indirect_dma semaphore(%dma_wait3A_269 : memref<!tpu.dma_semaphore, #tpu.memory_space<semaphore_mem>>) src(%dma_wait3A_267 : memref<100000x128xf32, #tpu.memory_space<hbm>>) dst(%dma_wait3A_261 : memref<128x128xf32, #tpu.memory_space<vmem>>)
      %mul3A_270 = arith.constant 5 : i32
      %mul3A_271 = arith.muli %add3A_104, %mul3A_270 : i32
      %add3A_272 = arith.constant 1 : i32
      %add3A_273 = arith.addi %mul3A_271, %add3A_272 : i32
      %mul3A_274 = arith.constant 4096 : i32
      %mul3A_275 = arith.muli %add3A_273, %mul3A_274 : i32
      %add3A_276 = arith.addi %mul3A_275, %mul3A_2 : i32
      %multiple_of3A_277 = tpu.assume_multiple %add3A_276, 128 : i32
      %dma_start3A_278 = arith.constant 1 : i32
      %dma_start3A_279 = arith.constant 1 : i32
      %dma_start3A_280 = arith.constant 0 : i32
      %dma_start3A_281 = arith.constant 0 : i32
      %dma_start3A_282 = tpu.memref_slice %arg6[%dma_start3A_278, %dma_start3A_280, %dma_start3A_281] : memref<5x128x128xf32, #tpu.memory_space<vmem>> -> memref<1x128x128xf32, #tpu.memory_space<vmem>>
      %dma_start3A_283 = tpu.memref_squeeze %dma_start3A_282 : memref<1x128x128xf32, #tpu.memory_space<vmem>> -> memref<128x128xf32, #tpu.memory_space<vmem>>
      %dma_start3A_284 = arith.constant 0 : i32
      %dma_start3A_285 = tpu.memref_slice %arg4[%multiple_of3A_277, %dma_start3A_284] : memref<204800x128xf32, #tpu.memory_space<hbm>> -> memref<128x128xf32, #tpu.memory_space<hbm>>
      %dma_start3A_286 = tpu.memref_slice %arg8[%dma_start3A_279] : memref<5x!tpu.dma_semaphore, #tpu.memory_space<semaphore_mem>> -> memref<1x!tpu.dma_semaphore, #tpu.memory_space<semaphore_mem>>
      %dma_start3A_287 = tpu.memref_squeeze %dma_start3A_286 : memref<1x!tpu.dma_semaphore, #tpu.memory_space<semaphore_mem>> -> memref<!tpu.dma_semaphore, #tpu.memory_space<semaphore_mem>>
      %dma_start3A_288 = arith.constant 0 : i32
      %dma_start3A_289 = tpu.memref_slice %arg4[%multiple_of3A_277, %dma_start3A_288] : memref<204800x128xf32, #tpu.memory_space<hbm>> -> memref<128x128xf32, #tpu.memory_space<hbm>>
      %dma_start3A_290 = arith.constant 0 : i32
      %dma_start3A_291 = arith.constant 0 : i32
      %dma_start3A_292 = tpu.memref_slice %arg6[%dma_start3A_278, %dma_start3A_290, %dma_start3A_291] : memref<5x128x128xf32, #tpu.memory_space<vmem>> -> memref<1x128x128xf32, #tpu.memory_space<vmem>>
      %dma_start3A_293 = tpu.memref_squeeze %dma_start3A_292 : memref<1x128x128xf32, #tpu.memory_space<vmem>> -> memref<128x128xf32, #tpu.memory_space<vmem>>
      tpu.enqueue_dma source(%dma_start3A_293 : memref<128x128xf32, #tpu.memory_space<vmem>>) target(%dma_start3A_289 : memref<128x128xf32, #tpu.memory_space<hbm>>) target_semaphore(%dma_start3A_287 : memref<!tpu.dma_semaphore, #tpu.memory_space<semaphore_mem>>)
      %dma_wait3A_294 = arith.constant 0 : i32
      %dma_wait3A_295 = arith.constant 2 : i32
      %dma_wait3A_296 = arith.constant 2 : i32
      %dma_wait3A_297 = arith.constant 0 : i32
      %dma_wait3A_298 = arith.constant 0 : i32
      %dma_wait3A_299 = tpu.memref_slice %arg6[%dma_wait3A_295, %dma_wait3A_297, %dma_wait3A_298] : memref<5x128x128xf32, #tpu.memory_space<vmem>> -> memref<1x128x128xf32, #tpu.memory_space<vmem>>
      %dma_wait3A_300 = tpu.memref_squeeze %dma_wait3A_299 : memref<1x128x128xf32, #tpu.memory_space<vmem>> -> memref<128x128xf32, #tpu.memory_space<vmem>>
      %dma_wait3A_301 = arith.constant 0 : i32
      %dma_wait3A_302 = tpu.memref_slice %arg5[%dma_wait3A_294, %dma_wait3A_301] : memref<50x128xi32, #tpu.memory_space<vmem>> -> memref<1x128xi32, #tpu.memory_space<vmem>>
      %dma_wait3A_303 = tpu.memref_squeeze %dma_wait3A_302 : memref<1x128xi32, #tpu.memory_space<vmem>> -> memref<128xi32, #tpu.memory_space<vmem>>
      %dma_wait3A_304 = arith.constant 0 : i32
      %dma_wait3A_305 = arith.constant 0 : i32
      %dma_wait3A_306 = tpu.memref_slice %arg2[%dma_wait3A_304, %dma_wait3A_305] : memref<100000x128xf32, #tpu.memory_space<hbm>> -> memref<100000x128xf32, #tpu.memory_space<hbm>>
      %dma_wait3A_307 = tpu.memref_slice %arg7[%dma_wait3A_296] : memref<5x!tpu.dma_semaphore, #tpu.memory_space<semaphore_mem>> -> memref<1x!tpu.dma_semaphore, #tpu.memory_space<semaphore_mem>>
      %dma_wait3A_308 = tpu.memref_squeeze %dma_wait3A_307 : memref<1x!tpu.dma_semaphore, #tpu.memory_space<semaphore_mem>> -> memref<!tpu.dma_semaphore, #tpu.memory_space<semaphore_mem>>
      tpu.wait_indirect_dma semaphore(%dma_wait3A_308 : memref<!tpu.dma_semaphore, #tpu.memory_space<semaphore_mem>>) src(%dma_wait3A_306 : memref<100000x128xf32, #tpu.memory_space<hbm>>) dst(%dma_wait3A_300 : memref<128x128xf32, #tpu.memory_space<vmem>>)
      %mul3A_309 = arith.constant 5 : i32
      %mul3A_310 = arith.muli %add3A_104, %mul3A_309 : i32
      %add3A_311 = arith.constant 2 : i32
      %add3A_312 = arith.addi %mul3A_310, %add3A_311 : i32
      %mul3A_313 = arith.constant 4096 : i32
      %mul3A_314 = arith.muli %add3A_312, %mul3A_313 : i32
      %add3A_315 = arith.addi %mul3A_314, %mul3A_2 : i32
      %multiple_of3A_316 = tpu.assume_multiple %add3A_315, 128 : i32
      %dma_start3A_317 = arith.constant 2 : i32
      %dma_start3A_318 = arith.constant 2 : i32
      %dma_start3A_319 = arith.constant 0 : i32
      %dma_start3A_320 = arith.constant 0 : i32
      %dma_start3A_321 = tpu.memref_slice %arg6[%dma_start3A_317, %dma_start3A_319, %dma_start3A_320] : memref<5x128x128xf32, #tpu.memory_space<vmem>> -> memref<1x128x128xf32, #tpu.memory_space<vmem>>
      %dma_start3A_322 = tpu.memref_squeeze %dma_start3A_321 : memref<1x128x128xf32, #tpu.memory_space<vmem>> -> memref<128x128xf32, #tpu.memory_space<vmem>>
      %dma_start3A_323 = arith.constant 0 : i32
      %dma_start3A_324 = tpu.memref_slice %arg4[%multiple_of3A_316, %dma_start3A_323] : memref<204800x128xf32, #tpu.memory_space<hbm>> -> memref<128x128xf32, #tpu.memory_space<hbm>>
      %dma_start3A_325 = tpu.memref_slice %arg8[%dma_start3A_318] : memref<5x!tpu.dma_semaphore, #tpu.memory_space<semaphore_mem>> -> memref<1x!tpu.dma_semaphore, #tpu.memory_space<semaphore_mem>>
      %dma_start3A_326 = tpu.memref_squeeze %dma_start3A_325 : memref<1x!tpu.dma_semaphore, #tpu.memory_space<semaphore_mem>> -> memref<!tpu.dma_semaphore, #tpu.memory_space<semaphore_mem>>
      %dma_start3A_327 = arith.constant 0 : i32
      %dma_start3A_328 = tpu.memref_slice %arg4[%multiple_of3A_316, %dma_start3A_327] : memref<204800x128xf32, #tpu.memory_space<hbm>> -> memref<128x128xf32, #tpu.memory_space<hbm>>
      %dma_start3A_329 = arith.constant 0 : i32
      %dma_start3A_330 = arith.constant 0 : i32
      %dma_start3A_331 = tpu.memref_slice %arg6[%dma_start3A_317, %dma_start3A_329, %dma_start3A_330] : memref<5x128x128xf32, #tpu.memory_space<vmem>> -> memref<1x128x128xf32, #tpu.memory_space<vmem>>
      %dma_start3A_332 = tpu.memref_squeeze %dma_start3A_331 : memref<1x128x128xf32, #tpu.memory_space<vmem>> -> memref<128x128xf32, #tpu.memory_space<vmem>>
      tpu.enqueue_dma source(%dma_start3A_332 : memref<128x128xf32, #tpu.memory_space<vmem>>) target(%dma_start3A_328 : memref<128x128xf32, #tpu.memory_space<hbm>>) target_semaphore(%dma_start3A_326 : memref<!tpu.dma_semaphore, #tpu.memory_space<semaphore_mem>>)
      %dma_wait3A_333 = arith.constant 0 : i32
      %dma_wait3A_334 = arith.constant 3 : i32
      %dma_wait3A_335 = arith.constant 3 : i32
      %dma_wait3A_336 = arith.constant 0 : i32
      %dma_wait3A_337 = arith.constant 0 : i32
      %dma_wait3A_338 = tpu.memref_slice %arg6[%dma_wait3A_334, %dma_wait3A_336, %dma_wait3A_337] : memref<5x128x128xf32, #tpu.memory_space<vmem>> -> memref<1x128x128xf32, #tpu.memory_space<vmem>>
      %dma_wait3A_339 = tpu.memref_squeeze %dma_wait3A_338 : memref<1x128x128xf32, #tpu.memory_space<vmem>> -> memref<128x128xf32, #tpu.memory_space<vmem>>
      %dma_wait3A_340 = arith.constant 0 : i32
      %dma_wait3A_341 = tpu.memref_slice %arg5[%dma_wait3A_333, %dma_wait3A_340] : memref<50x128xi32, #tpu.memory_space<vmem>> -> memref<1x128xi32, #tpu.memory_space<vmem>>
      %dma_wait3A_342 = tpu.memref_squeeze %dma_wait3A_341 : memref<1x128xi32, #tpu.memory_space<vmem>> -> memref<128xi32, #tpu.memory_space<vmem>>
      %dma_wait3A_343 = arith.constant 0 : i32
      %dma_wait3A_344 = arith.constant 0 : i32
      %dma_wait3A_345 = tpu.memref_slice %arg2[%dma_wait3A_343, %dma_wait3A_344] : memref<100000x128xf32, #tpu.memory_space<hbm>> -> memref<100000x128xf32, #tpu.memory_space<hbm>>
      %dma_wait3A_346 = tpu.memref_slice %arg7[%dma_wait3A_335] : memref<5x!tpu.dma_semaphore, #tpu.memory_space<semaphore_mem>> -> memref<1x!tpu.dma_semaphore, #tpu.memory_space<semaphore_mem>>
      %dma_wait3A_347 = tpu.memref_squeeze %dma_wait3A_346 : memref<1x!tpu.dma_semaphore, #tpu.memory_space<semaphore_mem>> -> memref<!tpu.dma_semaphore, #tpu.memory_space<semaphore_mem>>
      tpu.wait_indirect_dma semaphore(%dma_wait3A_347 : memref<!tpu.dma_semaphore, #tpu.memory_space<semaphore_mem>>) src(%dma_wait3A_345 : memref<100000x128xf32, #tpu.memory_space<hbm>>) dst(%dma_wait3A_339 : memref<128x128xf32, #tpu.memory_space<vmem>>)
      %mul3A_348 = arith.constant 5 : i32
      %mul3A_349 = arith.muli %add3A_104, %mul3A_348 : i32
      %add3A_350 = arith.constant 3 : i32
      %add3A_351 = arith.addi %mul3A_349, %add3A_350 : i32
      %mul3A_352 = arith.constant 4096 : i32
      %mul3A_353 = arith.muli %add3A_351, %mul3A_352 : i32
      %add3A_354 = arith.addi %mul3A_353, %mul3A_2 : i32
      %multiple_of3A_355 = tpu.assume_multiple %add3A_354, 128 : i32
      %dma_start3A_356 = arith.constant 3 : i32
      %dma_start3A_357 = arith.constant 3 : i32
      %dma_start3A_358 = arith.constant 0 : i32
      %dma_start3A_359 = arith.constant 0 : i32
      %dma_start3A_360 = tpu.memref_slice %arg6[%dma_start3A_356, %dma_start3A_358, %dma_start3A_359] : memref<5x128x128xf32, #tpu.memory_space<vmem>> -> memref<1x128x128xf32, #tpu.memory_space<vmem>>
      %dma_start3A_361 = tpu.memref_squeeze %dma_start3A_360 : memref<1x128x128xf32, #tpu.memory_space<vmem>> -> memref<128x128xf32, #tpu.memory_space<vmem>>
      %dma_start3A_362 = arith.constant 0 : i32
      %dma_start3A_363 = tpu.memref_slice %arg4[%multiple_of3A_355, %dma_start3A_362] : memref<204800x128xf32, #tpu.memory_space<hbm>> -> memref<128x128xf32, #tpu.memory_space<hbm>>
      %dma_start3A_364 = tpu.memref_slice %arg8[%dma_start3A_357] : memref<5x!tpu.dma_semaphore, #tpu.memory_space<semaphore_mem>> -> memref<1x!tpu.dma_semaphore, #tpu.memory_space<semaphore_mem>>
      %dma_start3A_365 = tpu.memref_squeeze %dma_start3A_364 : memref<1x!tpu.dma_semaphore, #tpu.memory_space<semaphore_mem>> -> memref<!tpu.dma_semaphore, #tpu.memory_space<semaphore_mem>>
      %dma_start3A_366 = arith.constant 0 : i32
      %dma_start3A_367 = tpu.memref_slice %arg4[%multiple_of3A_355, %dma_start3A_366] : memref<204800x128xf32, #tpu.memory_space<hbm>> -> memref<128x128xf32, #tpu.memory_space<hbm>>
      %dma_start3A_368 = arith.constant 0 : i32
      %dma_start3A_369 = arith.constant 0 : i32
      %dma_start3A_370 = tpu.memref_slice %arg6[%dma_start3A_356, %dma_start3A_368, %dma_start3A_369] : memref<5x128x128xf32, #tpu.memory_space<vmem>> -> memref<1x128x128xf32, #tpu.memory_space<vmem>>
      %dma_start3A_371 = tpu.memref_squeeze %dma_start3A_370 : memref<1x128x128xf32, #tpu.memory_space<vmem>> -> memref<128x128xf32, #tpu.memory_space<vmem>>
      tpu.enqueue_dma source(%dma_start3A_371 : memref<128x128xf32, #tpu.memory_space<vmem>>) target(%dma_start3A_367 : memref<128x128xf32, #tpu.memory_space<hbm>>) target_semaphore(%dma_start3A_365 : memref<!tpu.dma_semaphore, #tpu.memory_space<semaphore_mem>>)
      %dma_wait3A_372 = arith.constant 0 : i32
      %dma_wait3A_373 = arith.constant 4 : i32
      %dma_wait3A_374 = arith.constant 4 : i32
      %dma_wait3A_375 = arith.constant 0 : i32
      %dma_wait3A_376 = arith.constant 0 : i32
      %dma_wait3A_377 = tpu.memref_slice %arg6[%dma_wait3A_373, %dma_wait3A_375, %dma_wait3A_376] : memref<5x128x128xf32, #tpu.memory_space<vmem>> -> memref<1x128x128xf32, #tpu.memory_space<vmem>>
      %dma_wait3A_378 = tpu.memref_squeeze %dma_wait3A_377 : memref<1x128x128xf32, #tpu.memory_space<vmem>> -> memref<128x128xf32, #tpu.memory_space<vmem>>
      %dma_wait3A_379 = arith.constant 0 : i32
      %dma_wait3A_380 = tpu.memref_slice %arg5[%dma_wait3A_372, %dma_wait3A_379] : memref<50x128xi32, #tpu.memory_space<vmem>> -> memref<1x128xi32, #tpu.memory_space<vmem>>
      %dma_wait3A_381 = tpu.memref_squeeze %dma_wait3A_380 : memref<1x128xi32, #tpu.memory_space<vmem>> -> memref<128xi32, #tpu.memory_space<vmem>>
      %dma_wait3A_382 = arith.constant 0 : i32
      %dma_wait3A_383 = arith.constant 0 : i32
      %dma_wait3A_384 = tpu.memref_slice %arg2[%dma_wait3A_382, %dma_wait3A_383] : memref<100000x128xf32, #tpu.memory_space<hbm>> -> memref<100000x128xf32, #tpu.memory_space<hbm>>
      %dma_wait3A_385 = tpu.memref_slice %arg7[%dma_wait3A_374] : memref<5x!tpu.dma_semaphore, #tpu.memory_space<semaphore_mem>> -> memref<1x!tpu.dma_semaphore, #tpu.memory_space<semaphore_mem>>
      %dma_wait3A_386 = tpu.memref_squeeze %dma_wait3A_385 : memref<1x!tpu.dma_semaphore, #tpu.memory_space<semaphore_mem>> -> memref<!tpu.dma_semaphore, #tpu.memory_space<semaphore_mem>>
      tpu.wait_indirect_dma semaphore(%dma_wait3A_386 : memref<!tpu.dma_semaphore, #tpu.memory_space<semaphore_mem>>) src(%dma_wait3A_384 : memref<100000x128xf32, #tpu.memory_space<hbm>>) dst(%dma_wait3A_378 : memref<128x128xf32, #tpu.memory_space<vmem>>)
      %mul3A_387 = arith.constant 5 : i32
      %mul3A_388 = arith.muli %add3A_104, %mul3A_387 : i32
      %add3A_389 = arith.constant 4 : i32
      %add3A_390 = arith.addi %mul3A_388, %add3A_389 : i32
      %mul3A_391 = arith.constant 4096 : i32
      %mul3A_392 = arith.muli %add3A_390, %mul3A_391 : i32
      %add3A_393 = arith.addi %mul3A_392, %mul3A_2 : i32
      %multiple_of3A_394 = tpu.assume_multiple %add3A_393, 128 : i32
      %dma_start3A_395 = arith.constant 4 : i32
      %dma_start3A_396 = arith.constant 4 : i32
      %dma_start3A_397 = arith.constant 0 : i32
      %dma_start3A_398 = arith.constant 0 : i32
      %dma_start3A_399 = tpu.memref_slice %arg6[%dma_start3A_395, %dma_start3A_397, %dma_start3A_398] : memref<5x128x128xf32, #tpu.memory_space<vmem>> -> memref<1x128x128xf32, #tpu.memory_space<vmem>>
      %dma_start3A_400 = tpu.memref_squeeze %dma_start3A_399 : memref<1x128x128xf32, #tpu.memory_space<vmem>> -> memref<128x128xf32, #tpu.memory_space<vmem>>
      %dma_start3A_401 = arith.constant 0 : i32
      %dma_start3A_402 = tpu.memref_slice %arg4[%multiple_of3A_394, %dma_start3A_401] : memref<204800x128xf32, #tpu.memory_space<hbm>> -> memref<128x128xf32, #tpu.memory_space<hbm>>
      %dma_start3A_403 = tpu.memref_slice %arg8[%dma_start3A_396] : memref<5x!tpu.dma_semaphore, #tpu.memory_space<semaphore_mem>> -> memref<1x!tpu.dma_semaphore, #tpu.memory_space<semaphore_mem>>
      %dma_start3A_404 = tpu.memref_squeeze %dma_start3A_403 : memref<1x!tpu.dma_semaphore, #tpu.memory_space<semaphore_mem>> -> memref<!tpu.dma_semaphore, #tpu.memory_space<semaphore_mem>>
      %dma_start3A_405 = arith.constant 0 : i32
      %dma_start3A_406 = tpu.memref_slice %arg4[%multiple_of3A_394, %dma_start3A_405] : memref<204800x128xf32, #tpu.memory_space<hbm>> -> memref<128x128xf32, #tpu.memory_space<hbm>>
      %dma_start3A_407 = arith.constant 0 : i32
      %dma_start3A_408 = arith.constant 0 : i32
      %dma_start3A_409 = tpu.memref_slice %arg6[%dma_start3A_395, %dma_start3A_407, %dma_start3A_408] : memref<5x128x128xf32, #tpu.memory_space<vmem>> -> memref<1x128x128xf32, #tpu.memory_space<vmem>>
      %dma_start3A_410 = tpu.memref_squeeze %dma_start3A_409 : memref<1x128x128xf32, #tpu.memory_space<vmem>> -> memref<128x128xf32, #tpu.memory_space<vmem>>
      tpu.enqueue_dma source(%dma_start3A_410 : memref<128x128xf32, #tpu.memory_space<vmem>>) target(%dma_start3A_406 : memref<128x128xf32, #tpu.memory_space<hbm>>) target_semaphore(%dma_start3A_404 : memref<!tpu.dma_semaphore, #tpu.memory_space<semaphore_mem>>)
    }
    %scan3A_6 = arith.constant 10 : i32
    %add3A_7 = arith.constant 184320 : i32
    %add3A_8 = arith.addi %add3A_7, %mul3A_2 : i32
    %multiple_of3A = tpu.assume_multiple %add3A_8, 128 : i32
    %dma_wait3A = arith.constant 0 : i32
    %dma_wait3A_9 = arith.constant 0 : i32
    %dma_wait3A_10 = arith.constant 0 : i32
    %dma_wait3A_11 = arith.constant 0 : i32
    %dma_wait3A_12 = tpu.memref_slice %arg6[%dma_wait3A, %dma_wait3A_10, %dma_wait3A_11] : memref<5x128x128xf32, #tpu.memory_space<vmem>> -> memref<1x128x128xf32, #tpu.memory_space<vmem>>
    %dma_wait3A_13 = tpu.memref_squeeze %dma_wait3A_12 : memref<1x128x128xf32, #tpu.memory_space<vmem>> -> memref<128x128xf32, #tpu.memory_space<vmem>>
    %dma_wait3A_14 = arith.constant 0 : i32
    %dma_wait3A_15 = tpu.memref_slice %arg4[%multiple_of3A, %dma_wait3A_14] : memref<204800x128xf32, #tpu.memory_space<hbm>> -> memref<128x128xf32, #tpu.memory_space<hbm>>
    %dma_wait3A_16 = tpu.memref_slice %arg8[%dma_wait3A_9] : memref<5x!tpu.dma_semaphore, #tpu.memory_space<semaphore_mem>> -> memref<1x!tpu.dma_semaphore, #tpu.memory_space<semaphore_mem>>
    %dma_wait3A_17 = tpu.memref_squeeze %dma_wait3A_16 : memref<1x!tpu.dma_semaphore, #tpu.memory_space<semaphore_mem>> -> memref<!tpu.dma_semaphore, #tpu.memory_space<semaphore_mem>>
    %dma_wait3A_18 = arith.constant 0 : i32
    %dma_wait3A_19 = tpu.memref_slice %arg4[%multiple_of3A, %dma_wait3A_18] : memref<204800x128xf32, #tpu.memory_space<hbm>> -> memref<128x128xf32, #tpu.memory_space<hbm>>
    %dma_wait3A_20 = arith.constant 0 : i32
    %dma_wait3A_21 = arith.constant 0 : i32
    %dma_wait3A_22 = tpu.memref_slice %arg6[%dma_wait3A, %dma_wait3A_20, %dma_wait3A_21] : memref<5x128x128xf32, #tpu.memory_space<vmem>> -> memref<1x128x128xf32, #tpu.memory_space<vmem>>
    %dma_wait3A_23 = tpu.memref_squeeze %dma_wait3A_22 : memref<1x128x128xf32, #tpu.memory_space<vmem>> -> memref<128x128xf32, #tpu.memory_space<vmem>>
    tpu.wait_dma2 semaphore(%dma_wait3A_17 : memref<!tpu.dma_semaphore, #tpu.memory_space<semaphore_mem>>) src(%dma_wait3A_23 : memref<128x128xf32, #tpu.memory_space<vmem>>) dst(%dma_wait3A_19 : memref<128x128xf32, #tpu.memory_space<hbm>>)
    %add3A_24 = arith.constant 188416 : i32
    %add3A_25 = arith.addi %add3A_24, %mul3A_2 : i32
    %multiple_of3A_26 = tpu.assume_multiple %add3A_25, 128 : i32
    %dma_wait3A_27 = arith.constant 1 : i32
    %dma_wait3A_28 = arith.constant 1 : i32
    %dma_wait3A_29 = arith.constant 0 : i32
    %dma_wait3A_30 = arith.constant 0 : i32
    %dma_wait3A_31 = tpu.memref_slice %arg6[%dma_wait3A_27, %dma_wait3A_29, %dma_wait3A_30] : memref<5x128x128xf32, #tpu.memory_space<vmem>> -> memref<1x128x128xf32, #tpu.memory_space<vmem>>
    %dma_wait3A_32 = tpu.memref_squeeze %dma_wait3A_31 : memref<1x128x128xf32, #tpu.memory_space<vmem>> -> memref<128x128xf32, #tpu.memory_space<vmem>>
    %dma_wait3A_33 = arith.constant 0 : i32
    %dma_wait3A_34 = tpu.memref_slice %arg4[%multiple_of3A_26, %dma_wait3A_33] : memref<204800x128xf32, #tpu.memory_space<hbm>> -> memref<128x128xf32, #tpu.memory_space<hbm>>
    %dma_wait3A_35 = tpu.memref_slice %arg8[%dma_wait3A_28] : memref<5x!tpu.dma_semaphore, #tpu.memory_space<semaphore_mem>> -> memref<1x!tpu.dma_semaphore, #tpu.memory_space<semaphore_mem>>
    %dma_wait3A_36 = tpu.memref_squeeze %dma_wait3A_35 : memref<1x!tpu.dma_semaphore, #tpu.memory_space<semaphore_mem>> -> memref<!tpu.dma_semaphore, #tpu.memory_space<semaphore_mem>>
    %dma_wait3A_37 = arith.constant 0 : i32
    %dma_wait3A_38 = tpu.memref_slice %arg4[%multiple_of3A_26, %dma_wait3A_37] : memref<204800x128xf32, #tpu.memory_space<hbm>> -> memref<128x128xf32, #tpu.memory_space<hbm>>
    %dma_wait3A_39 = arith.constant 0 : i32
    %dma_wait3A_40 = arith.constant 0 : i32
    %dma_wait3A_41 = tpu.memref_slice %arg6[%dma_wait3A_27, %dma_wait3A_39, %dma_wait3A_40] : memref<5x128x128xf32, #tpu.memory_space<vmem>> -> memref<1x128x128xf32, #tpu.memory_space<vmem>>
    %dma_wait3A_42 = tpu.memref_squeeze %dma_wait3A_41 : memref<1x128x128xf32, #tpu.memory_space<vmem>> -> memref<128x128xf32, #tpu.memory_space<vmem>>
    tpu.wait_dma2 semaphore(%dma_wait3A_36 : memref<!tpu.dma_semaphore, #tpu.memory_space<semaphore_mem>>) src(%dma_wait3A_42 : memref<128x128xf32, #tpu.memory_space<vmem>>) dst(%dma_wait3A_38 : memref<128x128xf32, #tpu.memory_space<hbm>>)
    %add3A_43 = arith.constant 192512 : i32
    %add3A_44 = arith.addi %add3A_43, %mul3A_2 : i32
    %multiple_of3A_45 = tpu.assume_multiple %add3A_44, 128 : i32
    %dma_wait3A_46 = arith.constant 2 : i32
    %dma_wait3A_47 = arith.constant 2 : i32
    %dma_wait3A_48 = arith.constant 0 : i32
    %dma_wait3A_49 = arith.constant 0 : i32
    %dma_wait3A_50 = tpu.memref_slice %arg6[%dma_wait3A_46, %dma_wait3A_48, %dma_wait3A_49] : memref<5x128x128xf32, #tpu.memory_space<vmem>> -> memref<1x128x128xf32, #tpu.memory_space<vmem>>
    %dma_wait3A_51 = tpu.memref_squeeze %dma_wait3A_50 : memref<1x128x128xf32, #tpu.memory_space<vmem>> -> memref<128x128xf32, #tpu.memory_space<vmem>>
    %dma_wait3A_52 = arith.constant 0 : i32
    %dma_wait3A_53 = tpu.memref_slice %arg4[%multiple_of3A_45, %dma_wait3A_52] : memref<204800x128xf32, #tpu.memory_space<hbm>> -> memref<128x128xf32, #tpu.memory_space<hbm>>
    %dma_wait3A_54 = tpu.memref_slice %arg8[%dma_wait3A_47] : memref<5x!tpu.dma_semaphore, #tpu.memory_space<semaphore_mem>> -> memref<1x!tpu.dma_semaphore, #tpu.memory_space<semaphore_mem>>
    %dma_wait3A_55 = tpu.memref_squeeze %dma_wait3A_54 : memref<1x!tpu.dma_semaphore, #tpu.memory_space<semaphore_mem>> -> memref<!tpu.dma_semaphore, #tpu.memory_space<semaphore_mem>>
    %dma_wait3A_56 = arith.constant 0 : i32
    %dma_wait3A_57 = tpu.memref_slice %arg4[%multiple_of3A_45, %dma_wait3A_56] : memref<204800x128xf32, #tpu.memory_space<hbm>> -> memref<128x128xf32, #tpu.memory_space<hbm>>
    %dma_wait3A_58 = arith.constant 0 : i32
    %dma_wait3A_59 = arith.constant 0 : i32
    %dma_wait3A_60 = tpu.memref_slice %arg6[%dma_wait3A_46, %dma_wait3A_58, %dma_wait3A_59] : memref<5x128x128xf32, #tpu.memory_space<vmem>> -> memref<1x128x128xf32, #tpu.memory_space<vmem>>
    %dma_wait3A_61 = tpu.memref_squeeze %dma_wait3A_60 : memref<1x128x128xf32, #tpu.memory_space<vmem>> -> memref<128x128xf32, #tpu.memory_space<vmem>>
    tpu.wait_dma2 semaphore(%dma_wait3A_55 : memref<!tpu.dma_semaphore, #tpu.memory_space<semaphore_mem>>) src(%dma_wait3A_61 : memref<128x128xf32, #tpu.memory_space<vmem>>) dst(%dma_wait3A_57 : memref<128x128xf32, #tpu.memory_space<hbm>>)
    %add3A_62 = arith.constant 196608 : i32
    %add3A_63 = arith.addi %add3A_62, %mul3A_2 : i32
    %multiple_of3A_64 = tpu.assume_multiple %add3A_63, 128 : i32
    %dma_wait3A_65 = arith.constant 3 : i32
    %dma_wait3A_66 = arith.constant 3 : i32
    %dma_wait3A_67 = arith.constant 0 : i32
    %dma_wait3A_68 = arith.constant 0 : i32
    %dma_wait3A_69 = tpu.memref_slice %arg6[%dma_wait3A_65, %dma_wait3A_67, %dma_wait3A_68] : memref<5x128x128xf32, #tpu.memory_space<vmem>> -> memref<1x128x128xf32, #tpu.memory_space<vmem>>
    %dma_wait3A_70 = tpu.memref_squeeze %dma_wait3A_69 : memref<1x128x128xf32, #tpu.memory_space<vmem>> -> memref<128x128xf32, #tpu.memory_space<vmem>>
    %dma_wait3A_71 = arith.constant 0 : i32
    %dma_wait3A_72 = tpu.memref_slice %arg4[%multiple_of3A_64, %dma_wait3A_71] : memref<204800x128xf32, #tpu.memory_space<hbm>> -> memref<128x128xf32, #tpu.memory_space<hbm>>
    %dma_wait3A_73 = tpu.memref_slice %arg8[%dma_wait3A_66] : memref<5x!tpu.dma_semaphore, #tpu.memory_space<semaphore_mem>> -> memref<1x!tpu.dma_semaphore, #tpu.memory_space<semaphore_mem>>
    %dma_wait3A_74 = tpu.memref_squeeze %dma_wait3A_73 : memref<1x!tpu.dma_semaphore, #tpu.memory_space<semaphore_mem>> -> memref<!tpu.dma_semaphore, #tpu.memory_space<semaphore_mem>>
    %dma_wait3A_75 = arith.constant 0 : i32
    %dma_wait3A_76 = tpu.memref_slice %arg4[%multiple_of3A_64, %dma_wait3A_75] : memref<204800x128xf32, #tpu.memory_space<hbm>> -> memref<128x128xf32, #tpu.memory_space<hbm>>
    %dma_wait3A_77 = arith.constant 0 : i32
    %dma_wait3A_78 = arith.constant 0 : i32
    %dma_wait3A_79 = tpu.memref_slice %arg6[%dma_wait3A_65, %dma_wait3A_77, %dma_wait3A_78] : memref<5x128x128xf32, #tpu.memory_space<vmem>> -> memref<1x128x128xf32, #tpu.memory_space<vmem>>
    %dma_wait3A_80 = tpu.memref_squeeze %dma_wait3A_79 : memref<1x128x128xf32, #tpu.memory_space<vmem>> -> memref<128x128xf32, #tpu.memory_space<vmem>>
    tpu.wait_dma2 semaphore(%dma_wait3A_74 : memref<!tpu.dma_semaphore, #tpu.memory_space<semaphore_mem>>) src(%dma_wait3A_80 : memref<128x128xf32, #tpu.memory_space<vmem>>) dst(%dma_wait3A_76 : memref<128x128xf32, #tpu.memory_space<hbm>>)
    %add3A_81 = arith.constant 200704 : i32
    %add3A_82 = arith.addi %add3A_81, %mul3A_2 : i32
    %multiple_of3A_83 = tpu.assume_multiple %add3A_82, 128 : i32
    %dma_wait3A_84 = arith.constant 4 : i32
    %dma_wait3A_85 = arith.constant 4 : i32
    %dma_wait3A_86 = arith.constant 0 : i32
    %dma_wait3A_87 = arith.constant 0 : i32
    %dma_wait3A_88 = tpu.memref_slice %arg6[%dma_wait3A_84, %dma_wait3A_86, %dma_wait3A_87] : memref<5x128x128xf32, #tpu.memory_space<vmem>> -> memref<1x128x128xf32, #tpu.memory_space<vmem>>
    %dma_wait3A_89 = tpu.memref_squeeze %dma_wait3A_88 : memref<1x128x128xf32, #tpu.memory_space<vmem>> -> memref<128x128xf32, #tpu.memory_space<vmem>>
    %dma_wait3A_90 = arith.constant 0 : i32
    %dma_wait3A_91 = tpu.memref_slice %arg4[%multiple_of3A_83, %dma_wait3A_90] : memref<204800x128xf32, #tpu.memory_space<hbm>> -> memref<128x128xf32, #tpu.memory_space<hbm>>
    %dma_wait3A_92 = tpu.memref_slice %arg8[%dma_wait3A_85] : memref<5x!tpu.dma_semaphore, #tpu.memory_space<semaphore_mem>> -> memref<1x!tpu.dma_semaphore, #tpu.memory_space<semaphore_mem>>
    %dma_wait3A_93 = tpu.memref_squeeze %dma_wait3A_92 : memref<1x!tpu.dma_semaphore, #tpu.memory_space<semaphore_mem>> -> memref<!tpu.dma_semaphore, #tpu.memory_space<semaphore_mem>>
    %dma_wait3A_94 = arith.constant 0 : i32
    %dma_wait3A_95 = tpu.memref_slice %arg4[%multiple_of3A_83, %dma_wait3A_94] : memref<204800x128xf32, #tpu.memory_space<hbm>> -> memref<128x128xf32, #tpu.memory_space<hbm>>
    %dma_wait3A_96 = arith.constant 0 : i32
    %dma_wait3A_97 = arith.constant 0 : i32
    %dma_wait3A_98 = tpu.memref_slice %arg6[%dma_wait3A_84, %dma_wait3A_96, %dma_wait3A_97] : memref<5x128x128xf32, #tpu.memory_space<vmem>> -> memref<1x128x128xf32, #tpu.memory_space<vmem>>
    %dma_wait3A_99 = tpu.memref_squeeze %dma_wait3A_98 : memref<1x128x128xf32, #tpu.memory_space<vmem>> -> memref<128x128xf32, #tpu.memory_space<vmem>>
    tpu.wait_dma2 semaphore(%dma_wait3A_93 : memref<!tpu.dma_semaphore, #tpu.memory_space<semaphore_mem>>) src(%dma_wait3A_99 : memref<128x128xf32, #tpu.memory_space<vmem>>) dst(%dma_wait3A_95 : memref<128x128xf32, #tpu.memory_space<hbm>>)
    return
  }
}

module attributes {stable_mosaic.version = 14 : i64} {
  func.func @body(%arg0: i32, %arg1: memref<32x8192xf32, #tpu.memory_space<vmem>>, %arg2: memref<32x64xf32, #tpu.memory_space<vmem>>, %arg3: memref<64x128xf32, #tpu.memory_space<vmem>>, %arg4: memref<1x128xf32, #tpu.memory_space<vmem>>, %arg5: memref<1x128xf32, #tpu.memory_space<vmem>>, %arg6: memref<8192x128xf32, #tpu.memory_space<vmem>>) attributes {dimension_semantics = [#tpu.dimension_semantics<arbitrary>], iteration_bounds = array<i64: 13>, scalar_prefetch = 0 : i64, scratch_operands = 0 : i64, tpu.core_type = #tpu.core_type<tc>, window_params = [{transform_indices = @transform_0, window_bounds = array<i64: 32, 8192>}, {pipeline_mode = #tpu.pipeline_mode<synchronous>, transform_indices = @transform_1, window_bounds = array<i64: 32, 64>}, {pipeline_mode = #tpu.pipeline_mode<synchronous>, transform_indices = @transform_2, window_bounds = array<i64: 64, 128>}, {pipeline_mode = #tpu.pipeline_mode<synchronous>, transform_indices = @transform_3, window_bounds = array<i64: 1, 128>}, {pipeline_mode = #tpu.pipeline_mode<synchronous>, transform_indices = @transform_4, window_bounds = array<i64: 1, 128>}, {transform_indices = @transform_5, window_bounds = array<i64: 8192, 128>}]} {
    %get3A = arith.constant 0 : index
    %get3A_0 = arith.constant 0 : index
    %get3A_1 = vector.load %arg2[%get3A, %get3A_0] : memref<32x64xf32, #tpu.memory_space<vmem>>, vector<32x64xf32>
    %get3A_2 = arith.constant 0 : index
    %get3A_3 = arith.constant 0 : index
    %get3A_4 = vector.load %arg3[%get3A_2, %get3A_3] : memref<64x128xf32, #tpu.memory_space<vmem>>, vector<64x128xf32>
    %dot_general3A = arith.constant dense<0.000000e+00> : vector<32x128xf32>
    %dot_general3A_5 = tpu.matmul %get3A_1, %get3A_4, %dot_general3A {dimension_numbers = #tpu.dot_dimension_numbers<[1], [0], [0], [1], [0, 0, 1, 1], [], []>, transpose_lhs_hint = false} : vector<32x64xf32>, vector<64x128xf32>, vector<32x128xf32> -> vector<32x128xf32>
    %reduce_sum3A = arith.constant dense<0.000000e+00> : vector<32xf32>
    %reduce_sum3A_6 = vector.multi_reduction <add>, %dot_general3A_5, %reduce_sum3A [1] : vector<32x128xf32> to vector<32xf32>
    %broadcast_in_dim3A = vector.shape_cast %reduce_sum3A_6 : vector<32xf32> to vector<32x1xf32>
    %div3A = arith.constant 1.280000e+02 : f32
    %div3A_7 = vector.broadcast %div3A : f32 to vector<32x1xf32>
    %div3A_8 = arith.divf %broadcast_in_dim3A, %div3A_7 : vector<32x1xf32>
    %sub3A = vector.broadcast %div3A_8 : vector<32x1xf32> to vector<32x128xf32>
    %sub3A_9 = arith.subf %dot_general3A_5, %sub3A : vector<32x128xf32>
    %get3A_10 = arith.constant 0 : index
    %get3A_11 = arith.constant 0 : index
    %get3A_12 = vector.load %arg1[%get3A_10, %get3A_11] : memref<32x8192xf32, #tpu.memory_space<vmem>>, vector<32x8192xf32>
    %dot_general3A_13 = arith.constant dense<0.000000e+00> : vector<8192x128xf32>
    %dot_general3A_14 = tpu.matmul %get3A_12, %sub3A_9, %dot_general3A_13 {dimension_numbers = #tpu.dot_dimension_numbers<[0], [0], [1], [1], [0, 1, 1, 1], [], []>, transpose_lhs_hint = false} : vector<32x8192xf32>, vector<32x128xf32>, vector<8192x128xf32> -> vector<8192x128xf32>
    %mul3A = arith.mulf %dot_general3A_14, %dot_general3A_14 : vector<8192x128xf32>
    %reduce_sum3A_15 = arith.constant dense<0.000000e+00> : vector<8192xf32>
    %reduce_sum3A_16 = vector.multi_reduction <add>, %mul3A, %reduce_sum3A_15 [1] : vector<8192x128xf32> to vector<8192xf32>
    %broadcast_in_dim3A_17 = vector.shape_cast %reduce_sum3A_16 : vector<8192xf32> to vector<8192x1xf32>
    %div3A_18 = arith.constant 1.280000e+02 : f32
    %div3A_19 = vector.broadcast %div3A_18 : f32 to vector<8192x1xf32>
    %div3A_20 = arith.divf %broadcast_in_dim3A_17, %div3A_19 : vector<8192x1xf32>
    %add3A = arith.constant 9.99999974E-6 : f32
    %add3A_21 = vector.broadcast %add3A : f32 to vector<8192x1xf32>
    %add3A_22 = arith.addf %div3A_20, %add3A_21 : vector<8192x1xf32>
    %rsqrt3A = math.rsqrt %add3A_22 : vector<8192x1xf32>
    %mul3A_23 = vector.broadcast %rsqrt3A : vector<8192x1xf32> to vector<8192x128xf32>
    %mul3A_24 = arith.mulf %dot_general3A_14, %mul3A_23 : vector<8192x128xf32>
    %get3A_25 = arith.constant 0 : index
    %get3A_26 = arith.constant 0 : index
    %get3A_27 = vector.load %arg4[%get3A_25, %get3A_26] : memref<1x128xf32, #tpu.memory_space<vmem>>, vector<1x128xf32>
    %mul3A_28 = vector.broadcast %get3A_27 : vector<1x128xf32> to vector<8192x128xf32>
    %mul3A_29 = arith.mulf %mul3A_24, %mul3A_28 : vector<8192x128xf32>
    %get3A_30 = arith.constant 0 : index
    %get3A_31 = arith.constant 0 : index
    %get3A_32 = vector.load %arg5[%get3A_30, %get3A_31] : memref<1x128xf32, #tpu.memory_space<vmem>>, vector<1x128xf32>
    %add3A_33 = vector.broadcast %get3A_32 : vector<1x128xf32> to vector<8192x128xf32>
    %add3A_34 = arith.addf %mul3A_29, %add3A_33 : vector<8192x128xf32>
    %swap3A = arith.constant 0 : index
    %swap3A_35 = arith.constant 0 : index
    %swap3A_36 = vector.load %arg6[%swap3A, %swap3A_35] : memref<8192x128xf32, #tpu.memory_space<vmem>>, vector<8192x128xf32>
    tpu.vector_store %arg6[%swap3A, %swap3A_35], %add3A_34 {strides = array<i32>} : memref<8192x128xf32, #tpu.memory_space<vmem>>, vector<8192x128xf32>,
    return
  }
  func.func @transform_0(%arg0: i32) -> (i32, i32) {
    %c0_i32 = arith.constant 0 : i32
    %c0_i32_0 = arith.constant 0 : i32
    return %c0_i32, %arg0 : i32, i32
  }
  func.func @transform_1(%arg0: i32) -> (i32, i32) {
    %c0_i32 = arith.constant 0 : i32
    %c0_i32_0 = arith.constant 0 : i32
    %c0_i32_1 = arith.constant 0 : i32
    return %c0_i32, %c0_i32_0 : i32, i32
  }
  func.func @transform_2(%arg0: i32) -> (i32, i32) {
    %c0_i32 = arith.constant 0 : i32
    %c0_i32_0 = arith.constant 0 : i32
    %c0_i32_1 = arith.constant 0 : i32
    return %c0_i32, %c0_i32_0 : i32, i32
  }
  func.func @transform_3(%arg0: i32) -> (i32, i32) {
    %c0_i32 = arith.constant 0 : i32
    %c0_i32_0 = arith.constant 0 : i32
    %c0_i32_1 = arith.constant 0 : i32
    return %c0_i32, %c0_i32_0 : i32, i32
  }
  func.func @transform_4(%arg0: i32) -> (i32, i32) {
    %c0_i32 = arith.constant 0 : i32
    %c0_i32_0 = arith.constant 0 : i32
    %c0_i32_1 = arith.constant 0 : i32
    return %c0_i32, %c0_i32_0 : i32, i32
  }
  func.func @transform_5(%arg0: i32) -> (i32, i32) {
    %c0_i32 = arith.constant 0 : i32
    %c0_i32_0 = arith.constant 0 : i32
    return %arg0, %c0_i32 : i32, i32
  }
}

</mosaic_0001>

<sc_bundles>
// kernel: kernel.4.cloned.1.call-start
scs
__scs_entry_jumppad:
0x0: {  	(pc) =	sbr.rel $0x88, $3  }
0x1: {  	(tag) =	ssettag $0x0;
	lr =	simm.s32 $0x1  }
0x2: {  	[smem:$0x3F9B] =	sst lr;
	_ =	strace $0xD0000000  }
0x3: {  	_ = 	snop  }
0x4: {  	_ = 	snop  }
0x5: {  	_ = 	snop  }
0x6: {  	_ = 	snop  }
0x7: {  	_ = 	snop  }
__scs_overlays_trampoline_lowered:
0x8: {  	[smem:$0x3FAA] =	sst s0  }
0x9: {  	[smem:$0x3FAB] =	sst s1  }
0xa: {  	[smem:$0x3FAC] =	sst s2  }
0xb: {  	[smem:$0x3FAD] =	sst s3  }
0xc: {  	[smem:$0x3FAE] =	sst s4  }
0xd: {  	[smem:$0x3FAF] =	sst s5  }
0xe: {  	[smem:$0x3FB0] =	sst s6  }
0xf: {  	[smem:$0x3FB1] =	sst s7  }
0x10: {  	[smem:$0x3FB2] =	sst s8  }
0x11: {  	[smem:$0x3FB3] =	sst s9;
	s0 =	simm.s32 @!p0 $0x0  }
0x12: {  	s1 =	sld [smem:$0x3F99];
	s0 =	simm.s32 @p0 $0x1  }
0x13: {  	[smem:$0x3FB4] =	sst s0;
	s0 =	simm.s32 @!p1 $0x0  }
0x14: {  	s2 =	sld [smem:$0x3F98];
	s0 =	simm.s32 @p1 $0x1  }
0x15: {  	[smem:$0x3FB5] =	sst s0;
	s0 =	simm.s32 @!p2 $0x0  }
0x16: {  	s3 =	sld [smem:$0x3FDB];
	s0 =	simm.s32 @p2 $0x1  }
0x17: {  	s4 =	simm.s32 $0x1BF5;
	[smem:$0x3FB7] =	sst s0  }
0x18: {  	s0 =	sld [smem:$0x3F9A];
	_ =	swait.ge [sflag:s4], $0x0  }
0x19: {  	s7 =	sld [smem:$0x3F9B]  }
0x1a: {  	s8 =	sadd.s32 $0xFFFFE003, lr  }
0x1b: {  	s9 =	sadd.s32 $0xFFFFFEF7, lr;
	s5 =	simm.s32 $0xFFFFFFFF;
	p2 =	slt.u32 s8, $0xFFFFF086  }
0x1c: {  	p1 =	slt.u32 s9, $0xF7A;
	s5 =	simm.s32 @!p2 $0x0  }
0x1d: {  	s5 =	simm.s32 @p1 $0x1;
	p0 =	seq.s32 s7, s2  }
0x1e: {  	s7 =	smul.u32 @!p0 $0xF7A, s2;
	p2 =	seq.s32 @!p0 s5, $0x0  }
0x1f: {  	s9 =	smul.u32 $0xF7A, s1;
	s8 =	simm.s32 @!p0 $0x1BF5;
	p2 =	por !p2, p0  }
0x20: {  	[sflag:s8] =	ssyncset.s32 @!p0 $0xFFFFF086;
	s6 =	sadd.s32 @!p0 s3, s7;
	s7 =	simm.s32 @!p0 $0x108  }
0x21: {  	s3 =	sadd.s32 s3, s9;
	s6 =	sadd.s32 @!p0 $0x88, s6;
	s7 =	simm.s32 @p2 $0x1082  }
0x22: {  	[simem:s7], [sflag:s8] =	dma.local @!p0 [hbm:s6], $0xF7A  }
0x23: {  	s9 =	sor.u32 $0xD0000000, s2;
	s6 =	simm.s32 $0x108;
	_ =	swait.ge @!p0 [sflag:s8], $0x0  }
0x24: {  	s3 =	sadd.s32 $0x88, s3;
	s6 =	simm.s32 @!p1 $0x1082;
	[sflag:s4] =	ssyncset.s32 $0xFFFFF086  }
0x25: {  	[simem:s6], [sflag:s4] =	dma.local [hbm:s3], $0xF7A  }
0x26: {  	[smem:$0x3F9B] =	sst s1;
	(tag) =	ssettag s2;
	_ =	strace s9  }
0x27: {  	s1 =	sld [smem:$0x3FAB]  }
0x28: {  	s2 =	sld [smem:$0x3FAC]  }
0x29: {  	s4 =	sld [smem:$0x3FAE]  }
0x2a: {  	p0 =	seq.s32 s5, $0x0;
	s5 =	sld [smem:$0x3FAF]  }
0x2b: {  	s6 =	sld [smem:$0x3FB0]  }
0x2c: {  	s7 =	sld [smem:$0x3FB1]  }
0x2d: {  	s3 =	simm.s32 $0x108;
	s8 =	sld [smem:$0x3FB2]  }
0x2e: {  	s3 =	simm.s32 @!p0 $0x1082;
	s9 =	sld [smem:$0x3FB3]  }
0x2f: {  	lr =	sadd.s32 s0, s3;
	s0 =	sld [smem:$0x3FAA]  }
0x30: {  	s3 =	sld [smem:$0x3FAD]  }
0x31: {  	[smem:$0x3FB6] =	sst s10  }
0x32: {  	s10 =	sld [smem:$0x3FB4];
	_ =	sdelay $0x3  }
0x33: {  	p0 =	seq.s32 s10, $0x1;
	s10 =	sld [smem:$0x3FB6];
	_ =	sdelay $0x3  }
0x34: {  	[smem:$0x3FB6] =	sst s10  }
0x35: {  	s10 =	sld [smem:$0x3FB5];
	_ =	sdelay $0x3  }
0x36: {  	p1 =	seq.s32 s10, $0x1;
	s10 =	sld [smem:$0x3FB6];
	_ =	sdelay $0x3  }
0x37: {  	[smem:$0x3FB6] =	sst s10  }
0x38: {  	s10 =	sld [smem:$0x3FB7]  }
0x39: {  	_ = 	snop;
	(pc) =	sbr.ind lr, $3  }
0x3a: {  	_ = 	snop  }
0x3b: {  	_ = 	snop  }
0x3c: {  	p2 =	seq.s32 s10, $0x1;
	s10 =	sld [smem:$0x3FB6]  }
0x3d: {  	_ =	shalt  }
0x3e: {  	_ =	shalt  }
0x3f: {  	_ =	shalt  }
0x40: {  	_ =	shalt  }
0x41: {  	_ =	shalt  }
0x42: {  	_ =	shalt  }
0x43: {  	_ =	shalt  }
0x44: {  	_ =	shalt  }
0x45: {  	_ =	shalt  }
0x46: {  	_ =	shalt  }
0x47: {  	_ =	shalt  }
0x48: {  	_ =	shalt  }
0x49: {  	_ =	shalt  }
0x4a: {  	_ =	shalt  }
0x4b: {  	_ =	shalt  }
0x4c: {  	_ =	shalt  }
0x4d: {  	_ =	shalt  }
0x4e: {  	_ =	shalt  }
0x4f: {  	_ =	shalt  }
0x50: {  	_ =	shalt  }
0x51: {  	_ =	shalt  }
0x52: {  	_ =	shalt  }
0x53: {  	_ =	shalt  }
0x54: {  	_ =	shalt  }
0x55: {  	_ =	shalt  }
0x56: {  	_ =	shalt  }
0x57: {  	_ =	shalt  }
0x58: {  	_ =	shalt  }
0x59: {  	_ =	shalt  }
0x5a: {  	_ =	shalt  }
0x5b: {  	_ =	shalt  }
0x5c: {  	_ =	shalt  }
0x5d: {  	_ =	shalt  }
0x5e: {  	_ =	shalt  }
0x5f: {  	_ =	shalt  }
0x60: {  	_ =	shalt  }
0x61: {  	_ =	shalt  }
0x62: {  	_ =	shalt  }
0x63: {  	_ =	shalt  }
0x64: {  	_ =	shalt  }
0x65: {  	_ =	shalt  }
0x66: {  	_ =	shalt  }
0x67: {  	_ =	shalt  }
0x68: {  	_ =	shalt  }
0x69: {  	_ =	shalt  }
0x6a: {  	_ =	shalt  }
0x6b: {  	_ =	shalt  }
0x6c: {  	_ =	shalt  }
0x6d: {  	_ =	shalt  }
0x6e: {  	_ =	shalt  }
0x6f: {  	_ =	shalt  }
0x70: {  	_ =	shalt  }
0x71: {  	_ =	shalt  }
0x72: {  	_ =	shalt  }
0x73: {  	_ =	shalt  }
0x74: {  	_ =	shalt  }
0x75: {  	_ =	shalt  }
0x76: {  	_ =	shalt  }
0x77: {  	_ =	shalt  }
0x78: {  	_ =	shalt  }
0x79: {  	_ =	shalt  }
0x7a: {  	_ =	shalt  }
0x7b: {  	_ =	shalt  }
0x7c: {  	_ =	shalt  }
0x7d: {  	_ =	shalt  }
0x7e: {  	_ =	shalt  }
0x7f: {  	_ =	shalt  }
0x80: {  	_ =	shalt  }
0x81: {  	_ =	shalt  }
0x82: {  	_ =	shalt  }
0x83: {  	_ =	shalt  }
0x84: {  	_ =	shalt  }
0x85: {  	_ =	shalt  }
0x86: {  	_ =	shalt  }
0x87: {  	_ =	shalt  }
.Lfunc_end0:
.L_simem_size_0:
called_computation_lowered:
.L_overlay_start_0:
0x88: {  	s2 =	sld [smem:$0x3FD9]  }
0x89: {  	s3 =	sld [smem:$0x3FFE];
	_ =	sdelay $0x1  }
0x8a: {  	s1 =	srdreg.scid  }
0x8b: {  	s0 =	sand.u32 $0x1, s1  }
0x8c: {  	s17 =	sshll.u32 s0, $0xA;
	s2 =	sadd.s32 s3, s2  }
0x8d: {  	s2 =	sadd.s32 s2, s17  }
0x8e: {  	[smem:$0x3FC2] =	sst s2  }
0x8f: {  	_ = 	snop  }
0x90: {  	s2 =	sld [smem:$0x3FC9]  }
0x91: {  	s18 =	sld [smem:$0x3FD0];
	(tm) =	ssettm $0x1  }
0x92: {  	s4 =	sld [smem:$0x3FFB];
	_ =	sdelay $0x3  }
0x93: {  	_ =	strace s4  }
0x94: {  	s4 =	sld [smem:$0x3FFC];
	_ =	sdelay $0x3  }
0x95: {  	_ =	strace s4  }
0x96: {  	s4 =	sld [smem:$0x3FFD];
	_ =	sdelay $0x3  }
0x97: {  	_ =	strace s4  }
0x98: {  	_ =	strace $0x8FFFFFFF  }
0x99: {  	s19 =	sld [smem:$0x3FDB];
	_ =	sdelay $0x1  }
0x9a: {  	s5 =	simm.s32 $_scs_section_size  }
0x9b: {  	s6 =	simm.s32 $_size__tile_overlayer_lowered;
	s7 =	simm.s32 $_tile_overlayer_lowered  }
0x9c: {  	s22 =	simm.s32 $0x1BFF;
	s21 =	sshll.u32 s7, $0x1;
	s4 =	sadd.s32 s5, s19  }
0x9d: {  	s8 =	simm.s32 $0x0;
	s20 =	sshll.u32 s6, $0x1;
	s6 =	sadd.s32 s21, s4  }
0x9e: {  	[timem:s8], [sflag:s22] =	dma.local [hbm:s6], s20  }
0x9f: {  	_ =	swait.ge [sflag:s22], s20  }
0xa0: {  	s5 =	ssub.s32 $0x0, s20;
	[sflag:s22] =	ssyncset.done $0x0  }
0xa1: {  	[sflag:s22] =	ssyncadd.s32 s5;
	_ =	sdelay $0x1  }
0xa2: {  	s23 =	simm.s32 $0x1B8B  }
0xa3: {  	_ =	swait.ge [sflag:s23], $0x1  }
0xa4: {  	[sflag:s23] =	ssyncset.done $0x0  }
0xa5: {  	s25 =	simm.s32 $0x1B8E;
	s24 =	sld [smem:$0x3FFE];
	[sflag:s23] =	ssyncadd.s32 $0xFFFFFFFF  }
0xa6: {  	s26 =	simm.s32 $execute0_lowered;
	[smem:$0x3FD2] =	sst s25  }
0xa7: {  	s6 =	sshll.u32 s26, $0x1;
	_ =	strace $0x80000046;
	[dreg:$0x1] =	wrdreg $0xFFFFFFFF  }
0xa8: {  	s28 =	simm.s32 $_size_execute0_lowered;
	s4 =	sadd.s32 s4, s6;
	[dreg:$0x0] =	wrdreg $0x0  }
0xa9: {  	s6 =	sshll.u32 s28, $0x1;
	[dreg:$0x2] =	wrdreg s4  }
0xaa: {  	[dreg:$0x3] =	wrdreg s6  }
0xab: {  	[dreg:$0x4] =	wrdreg $0xC0  }
0xac: {  	_ =	task [dreg:s8], $0x5FFFF  }
0xad: {  	[dreg:$0x1] =	wrdreg $0xFFFFFFFF  }
0xae: {  	[dreg:$0x0] =	wrdreg $0x60  }
0xaf: {  	[dreg:$0x2] =	wrdreg s24  }
0xb0: {  	[dreg:$0x3] =	wrdreg s2  }
0xb1: {  	[dreg:$0x4] =	wrdreg s18  }
0xb2: {  	[dreg:$0x5] =	wrdreg $0x9  }
0xb3: {  	_ =	task.clear_ibuf [dreg:s8], $0x6FFFF;
	_ =	strace $0x90000046  }
0xb4: {  	s29 =	simm.s32 $0x9;
	_ =	strace $0x80000048  }
0xb5: {  	_ =	swait.ge [sflag:s29], $0x1  }
0xb6: {  	[sflag:s29] =	ssyncadd.s32 $0xFFFFFFFF  }
0xb7: {  	_ =	strace $0x90000048  }
0xb8: {  	_ =	sfence  }
0xb9: {  	s30 =	sld [smem:$0x0];
	_ =	sdelay $0x2  }
0xba: {  	s31 =	sshll.u32 s1, $0xD;
	s1 =	sshrl.u32 s1, $0x2  }
0xbb: {  	s3 =	sand.u32 $0x4000, s31;
	s1 =	sadd.s32 s1, s30  }
0xbc: {  	s0 =	sor.u32 s3, s0;
	s1 =	sshll.u32 s1, $0x11  }
0xbd: {  	s0 =	sor.u32 s1, s0  }
0xbe: {  	s0 =	sadd.s32 $0x8F2B, s0  }
0xbf: {  	[sflag:s0] =	ssyncadd.remote.s32 $0x1  }
0xc0: {  	_ =	sfence.sel $0xFFFF  }
0xc1: {  	[dreg:$0x0] =	wrdreg $0xFFFFFFFF;
	(pc) =	sbr.abs _section_cstart, $3  }
0xc2: {  	[dreg:$0x1] =	wrdreg $0xFFFFFFFF  }
0xc3: {  	_ =	task.clear_ibuf [dreg:s8], $0x2FFFF;
	_ =	strace $0x9FFFFFFF  }
0xc4: {  	(tm) =	ssettm $0x7FFFFFFF  }
0xc5: {  	_ =	shalt  }
tec
execute0_lowered:
.L_overlay_start_1:
0x0: {  	(tag) =	ssettag $0x1  }
0x1: {  	s3 =	rddreg [dreg:$0x0]  }
0x2: {  	s4 =	rddreg [dreg:$0x1]  }
0x3: {  	s6 =	rddreg [dreg:$0x2];
	s5 =	srdreg.scid;
	s2 =	simm.s32 $0x0  }
0x4: {  	s0 =	stileid.u32;
	s12 =	simm.s32 $0x80;
	s14 =	simm.s32 $0x1C00  }
0x5: {  	s13 =	simm.s32 $0x1;
	s15 =	simm.s32 $0x5C00;
	s16 =	simm.s32 $0x9C00  }
0x6: {  	s17 =	simm.s32 $0xDC00;
	s18 =	simm.s32 $0x6;
	s19 =	simm.s32 $0x7  }
0x7: {  	s20 =	simm.s32 $0x8;
	s21 =	simm.s32 $0x9;
	s22 =	simm.s32 $0xA  }
0x8: {  	s23 =	simm.s32 $0x0;
	s7 =	sand.u32 $0x1, s5;
	[smem:$0x7FF] =	sst s2  }
0x9: {  	s29 =	sshll.u32 s0, $0x8;
	s3 =	sadd.s32 $0xE00, s3;
	s10 =	sshll.u32 s0, $0xC  }
0xa: {  	s8 =	sshll.u32 s7, $0x7;
	_ =	strace $0x80000047;
	[dreg:$0x4] =	wrdreg s12  }
0xb: {  	s9 =	ssub.s32 $0x2, s7;
	s10 =	sadd.s32 s10, s6;
	[dreg:$0x6] =	wrdreg s14  }
0xc: {  	s11 =	sshll.u32 s7, $0xB;
	s12 =	simm.s32 $0x11C00;
	[dreg:$0x7] =	wrdreg s15  }
0xd: {  	s14 =	simm.s32 $0x2;
	s15 =	simm.s32 $0x3;
	[dreg:$0x8] =	wrdreg s16  }
0xe: {  	s16 =	simm.s32 $0x4;
	[dreg:$0x9] =	wrdreg s17;
	s17 =	simm.s32 $0x5  }
0xf: {  	s8 =	sor.u32 s8, s29;
	s30 =	sshrl.u32 s9, $0x1;
	s31 =	sadd.s32 s11, s10  }
0x10: {  	s10 =	simm.s32 $0x1800;
	s11 =	simm.s32 $0xB;
	s4 =	sadd.s32 s4, s8  }
0x11: {  	s9 =	ssub.s32 s9, s30;
	s8 =	sshll.u32 s8, $0x4;
	[dreg:$0x5] =	wrdreg s31  }
0x12: {  	s5 =	sadd.s32 $0x6000, s4;
	s6 =	sadd.s32 s6, s8;
	s7 =	smax.u32 s9, $0x1  }
.LBB2_1:
0x13: {  	s0 =	simm.s32 $0x400;
	s1 =	simm.s32 $0x8000  }
0x14: {  	[tilespmem:s2], [sflag:$0xB] =	stream.strided.gather [hbm4b:s4+s0], $0x1800, s1, s0, $0x38;
	[tilespmem:$0x15C00] =	vst v63  }
0x15: {  	_ = 	snop  }
0x16: {  	[tilespmem:s10], [sflag:$0xB] =	stream.linear.gather [hbm4b:s5+s2], $0x100, $0x38;
	[tilespmem:$0x15C00] =	vst v63  }
0x17: {  	_ =	swait.ge [sflag:s11], $0x1900  }
0x18: {  	p0 =	por $0x0, $0x0;
	[sflag:s11] =	ssyncset.done $0x0  }
0x19: {  	s24 =	simm.s32 @p0 $0x6;
	[sflag:s11] =	ssyncadd.s32 $0xFFFFE700  }
0x1a: {  	_ =	swait.ge @p0 [sflag:s24], $0x4000  }
0x1b: {  	s25 =	simm.s32 @p0 $0x1C00;
	s26 =	simm.s32 @p0 $0x7;
	[sflag:s24] =	ssyncset.done @p0 $0x0  }
0x1c: {  	s28 =	simm.s32 @p0 $0x80;
	[sflag:s24] =	ssyncadd.s32 @p0 $0xFFFFC000;
	s24 =	simm.s32 @p0 $0x0  }
0x1d: {  	[tilespmem:s25], [sflag:$0x1] =	stream.indirect.gather @p0 [hbm4b:s3+s28], $0x80, s24, s28, $0xb8;
	[tilespmem:$0x15C00] =	vst v63  }
0x1e: {  	_ =	swait.ge @p0 [sflag:s26], $0x4000  }
0x1f: {  	s24 =	simm.s32 @p0 $0x8;
	[sflag:s26] =	ssyncset.done @p0 $0x0  }
0x20: {  	s25 =	simm.s32 @p0 $0x80;
	[sflag:s26] =	ssyncadd.s32 @p0 $0xFFFFC000;
	s26 =	simm.s32 @p0 $0x5C00  }
0x21: {  	[tilespmem:s26], [sflag:$0x2] =	stream.indirect.gather @p0 [hbm4b:s3+s28], $0x80, s25, s28, $0xb8;
	[tilespmem:$0x15C00] =	vst v63  }
0x22: {  	_ =	swait.ge @p0 [sflag:s24], $0x4000  }
0x23: {  	s25 =	simm.s32 @p0 $0x9;
	[sflag:s24] =	ssyncset.done @p0 $0x0  }
0x24: {  	s26 =	simm.s32 @p0 $0x9C00;
	[sflag:s24] =	ssyncadd.s32 @p0 $0xFFFFC000;
	s24 =	simm.s32 @p0 $0x100  }
0x25: {  	[tilespmem:s26], [sflag:$0x3] =	stream.indirect.gather @p0 [hbm4b:s3+s28], $0x80, s24, s28, $0xb8;
	[tilespmem:$0x15C00] =	vst v63  }
0x26: {  	_ =	swait.ge @p0 [sflag:s25], $0x4000  }
0x27: {  	s24 =	simm.s32 $0x180;
	[sflag:s25] =	ssyncset.done @p0 $0x0  }
0x28: {  	s26 =	simm.s32 @p0 $0xA;
	[sflag:s25] =	ssyncadd.s32 @p0 $0xFFFFC000;
	s25 =	simm.s32 @p0 $0xDC00  }
0x29: {  	[tilespmem:s25], [sflag:$0x4] =	stream.indirect.gather @p0 [hbm4b:s3+s28], $0x80, s24, s28, $0xb8;
	[tilespmem:$0x15C00] =	vst v63  }
0x2a: {  	_ =	swait.ge @p0 [sflag:s26], $0x4000  }
0x2b: {  	s24 =	simm.s32 @!p0 $0x1C00;
	[sflag:s26] =	ssyncset.done @p0 $0x0  }
0x2c: {  	s25 =	simm.s32 @!p0 $0x80;
	[sflag:s26] =	ssyncadd.s32 @p0 $0xFFFFC000;
	s26 =	simm.s32 @!p0 $0x0  }
0x2d: {  	[tilespmem:s24], [sflag:$0x1] =	stream.indirect.gather @!p0 [hbm4b:s3+s25], $0x80, s26, s25, $0xb8;
	[tilespmem:$0x15C00] =	vst v63  }
0x2e: {  	s24 =	simm.s32 @!p0 $0x5C00;
	s26 =	simm.s32 $0x4  }
0x2f: {  	[tilespmem:s24], [sflag:$0x2] =	stream.indirect.gather @!p0 [hbm4b:s3+s25], $0x80, s25, s25, $0xb8;
	[tilespmem:$0x15C00] =	vst v63  }
0x30: {  	s29 =	simm.s32 @!p0 $0x9C00;
	s28 =	simm.s32 @!p0 $0x100;
	s26 =	simm.s32 @!p0 $0x4  }
0x31: {  	[tilespmem:s29], [sflag:$0x3] =	stream.indirect.gather @!p0 [hbm4b:s3+s25], $0x80, s28, s25, $0xb8;
	[tilespmem:$0x15C00] =	vst v63  }
0x32: {  	s24 =	simm.s32 @!p0 $0xDC00;
	s31 =	sshll.u32 s26, $0x7;
	s28 =	simm.s32 @!p0 $0x180  }
0x33: {  	[tilespmem:s24], [sflag:$0x4] =	stream.indirect.gather @!p0 [hbm4b:s3+s25], $0x80, s28, s25, $0xb8;
	[tilespmem:$0x15C00] =	vst v63  }
0x34: {  	s30 =	rddreg [dreg:$0x4];
	s0 =	sand.u32 $0x3FFFFF80, s31  }
0x35: {  	[tilespmem:s12], [sflag:$0x5] =	stream.indirect.gather [hbm4b:s3+s30], $0x80, s0, s30, $0xb8;
	[tilespmem:$0x15C00] =	vst v63  }
0x36: {  	_ =	swait.ge [sflag:s13], $0x4000  }
0x37: {  	s1 =	rddreg [dreg:$0x5]  }
0x38: {  	[sflag:s13] =	ssyncset.done $0x0;
	s24 =	sadd.s32 $0x30000, s1  }
0x39: {  	s8 =	rddreg [dreg:$0x6];
	[sflag:s13] =	ssyncadd.s32 $0xFFFFC000;
	s24 =	sadd.s32 $0xFFFD0000, s24  }
0x3a: {  	[hbm4b:s24+s2] =	stream.linear.scatter [tilespmem:s8], [sflag:$0x6], $0x4000, $0x38;
	[tilespmem:$0x15C00] =	vst v63  }
0x3b: {  	s24 =	simm.s32 @p0 $0x10000;
	_ =	swait.ge [sflag:s14], $0x4000  }
0x3c: {  	s24 =	simm.s32 @!p0 $0x10000;
	[sflag:s14] =	ssyncset.done $0x0  }
0x3d: {  	s9 =	rddreg [dreg:$0x7];
	s24 =	sadd.s32 s24, s6;
	[sflag:s14] =	ssyncadd.s32 $0xFFFFC000  }
0x3e: {  	[hbm4b:s24+s2] =	stream.linear.scatter [tilespmem:s9], [sflag:$0x7], $0x4000, $0x38;
	[tilespmem:$0x15C00] =	vst v63  }
0x3f: {  	s24 =	simm.s32 @p0 $0x20000;
	_ =	swait.ge [sflag:s15], $0x4000  }
0x40: {  	s25 =	simm.s32 $0x30000;
	s24 =	simm.s32 @!p0 $0x20000;
	[sflag:s15] =	ssyncset.done $0x0  }
0x41: {  	s29 =	rddreg [dreg:$0x8];
	s24 =	sadd.s32 s24, s6;
	[sflag:s15] =	ssyncadd.s32 $0xFFFFC000  }
0x42: {  	[hbm4b:s24+s2] =	stream.linear.scatter [tilespmem:s29], [sflag:$0x8], $0x4000, $0x38;
	[tilespmem:$0x15C00] =	vst v63  }
0x43: {  	s28 =	simm.s32 $0xD0000;
	s25 =	simm.s32 @!p0 $0x30000;
	_ =	swait.ge [sflag:s16], $0x4000  }
0x44: {  	s30 =	sshll.u32 s26, $0x10;
	s25 =	sadd.s32 s25, s6;
	[sflag:s16] =	ssyncset.done $0x0  }
0x45: {  	s26 =	simm.s32 $0x400;
	s31 =	rddreg [dreg:$0x9];
	[sflag:s16] =	ssyncadd.s32 $0xFFFFC000  }
0x46: {  	[hbm4b:s25+s2] =	stream.linear.scatter [tilespmem:s31], [sflag:$0x9], $0x4000, $0x38;
	[tilespmem:$0x15C00] =	vst v63  }
0x47: {  	s30 =	sadd.s32 s30, s6;
	s8 =	simm.s32 $0x9;
	_ =	swait.ge [sflag:s17], $0x4000  }
0x48: {  	p0 =	por $0x1, $0x1;
	s24 =	simm.s32 $0x80000;
	[sflag:s17] =	ssyncset.done $0x0  }
.LBB2_2:
0x49: {  	s31 =	simm.s32 @p0 $0x6;
	[sflag:s17] =	ssyncadd.s32 $0xFFFFC000  }
0x4a: {  	[hbm4b:s30+s2] =	stream.linear.scatter [tilespmem:s12], [sflag:$0xA], $0x4000, $0x38;
	[tilespmem:$0x15C00] =	vst v63  }
0x4b: {  	_ =	swait.ge @p0 [sflag:s31], $0x4000  }
0x4c: {  	s0 =	simm.s32 @p0 $0x7;
	s1 =	simm.s32 @p0 $0x80;
	[sflag:s31] =	ssyncset.done @p0 $0x0  }
0x4d: {  	s30 =	simm.s32 @p0 $0x1C00;
	[sflag:s31] =	ssyncadd.s32 @p0 $0xFFFFC000;
	s31 =	sadd.s32 @p0 $0xFFFFFE80, s26  }
0x4e: {  	[tilespmem:s30], [sflag:$0x1] =	stream.indirect.gather @p0 [hbm4b:s3+s1], $0x80, s31, s1, $0xb8;
	[tilespmem:$0x15C00] =	vst v63  }
0x4f: {  	_ =	swait.ge @p0 [sflag:s0], $0x4000  }
0x50: {  	s30 =	simm.s32 @p0 $0x8;
	[sflag:s0] =	ssyncset.done @p0 $0x0  }
0x51: {  	s31 =	simm.s32 @p0 $0x5C00;
	[sflag:s0] =	ssyncadd.s32 @p0 $0xFFFFC000;
	s0 =	sadd.s32 @p0 $0xFFFFFF00, s26  }
0x52: {  	[tilespmem:s31], [sflag:$0x2] =	stream.indirect.gather @p0 [hbm4b:s3+s1], $0x80, s0, s1, $0xb8;
	[tilespmem:$0x15C00] =	vst v63  }
0x53: {  	_ =	swait.ge @p0 [sflag:s30], $0x4000  }
0x54: {  	s0 =	simm.s32 @p0 $0x9;
	[sflag:s30] =	ssyncset.done @p0 $0x0  }
0x55: {  	s31 =	simm.s32 @p0 $0x9C00;
	[sflag:s30] =	ssyncadd.s32 @p0 $0xFFFFC000;
	s30 =	sadd.s32 @p0 $0xFFFFFF80, s26  }
0x56: {  	[tilespmem:s31], [sflag:$0x3] =	stream.indirect.gather @p0 [hbm4b:s3+s1], $0x80, s30, s1, $0xb8;
	[tilespmem:$0x15C00] =	vst v63  }
0x57: {  	_ =	swait.ge @p0 [sflag:s0], $0x4000  }
0x58: {  	[sflag:s0] =	ssyncset.done @p0 $0x0  }
0x59: {  	s30 =	simm.s32 @p0 $0xA;
	[sflag:s0] =	ssyncadd.s32 @p0 $0xFFFFC000;
	s0 =	simm.s32 @p0 $0xDC00  }
0x5a: {  	[tilespmem:s0], [sflag:$0x4] =	stream.indirect.gather @p0 [hbm4b:s3+s1], $0x80, s26, s1, $0xb8;
	[tilespmem:$0x15C00] =	vst v63  }
0x5b: {  	_ =	swait.ge @p0 [sflag:s30], $0x4000  }
0x5c: {  	s0 =	simm.s32 @!p0 $0x1C00;
	[sflag:s30] =	ssyncset.done @p0 $0x0  }
0x5d: {  	s1 =	simm.s32 @!p0 $0x80;
	[sflag:s30] =	ssyncadd.s32 @p0 $0xFFFFC000;
	s30 =	simm.s32 @!p0 $0x0  }
0x5e: {  	[tilespmem:s0], [sflag:$0x1] =	stream.indirect.gather @!p0 [hbm4b:s3+s1], $0x80, s30, s1, $0xb8;
	[tilespmem:$0x15C00] =	vst v63  }
0x5f: {  	s25 =	smov.u32 s8;
	s0 =	simm.s32 @!p0 $0x5C00  }
0x60: {  	[tilespmem:s0], [sflag:$0x2] =	stream.indirect.gather @!p0 [hbm4b:s3+s1], $0x80, s1, s1, $0xb8;
	[tilespmem:$0x15C00] =	vst v63  }
0x61: {  	s25 =	simm.s32 @!p0 $0x4;
	s31 =	simm.s32 @!p0 $0x9C00;
	s0 =	simm.s32 @!p0 $0x100  }
0x62: {  	[tilespmem:s31], [sflag:$0x3] =	stream.indirect.gather @!p0 [hbm4b:s3+s1], $0x80, s0, s1, $0xb8;
	[tilespmem:$0x15C00] =	vst v63  }
0x63: {  	s30 =	simm.s32 @!p0 $0xDC00;
	s0 =	simm.s32 @!p0 $0x180;
	s31 =	sshll.u32 s25, $0x7  }
0x64: {  	[tilespmem:s30], [sflag:$0x4] =	stream.indirect.gather @!p0 [hbm4b:s3+s1], $0x80, s0, s1, $0xb8;
	[tilespmem:$0x15C00] =	vst v63  }
0x65: {  	s9 =	rddreg [dreg:$0x4];
	s1 =	sand.u32 $0x3FFFFF80, s31  }
0x66: {  	[tilespmem:s12], [sflag:$0x5] =	stream.indirect.gather [hbm4b:s3+s9], $0x80, s1, s9, $0xb8;
	[tilespmem:$0x15C00] =	vst v63  }
0x67: {  	_ =	swait.ge [sflag:s13], $0x4000  }
0x68: {  	s9 =	rddreg [dreg:$0x5]  }
0x69: {  	s30 =	sshll.u32 s25, $0x10;
	[sflag:s13] =	ssyncset.done $0x0;
	s0 =	sadd.s32 s24, s9  }
0x6a: {  	s25 =	rddreg [dreg:$0x6];
	[sflag:s13] =	ssyncadd.s32 $0xFFFFC000;
	s0 =	sadd.s32 $0xFFFD0000, s0  }
0x6b: {  	[hbm4b:s0+s2] =	stream.linear.scatter [tilespmem:s25], [sflag:$0x6], $0x4000, $0x38;
	[tilespmem:$0x15C00] =	vst v63  }
0x6c: {  	s0 =	sadd.s32 @p0 $0xFFFE0000, s24;
	_ =	swait.ge [sflag:s14], $0x4000  }
0x6d: {  	s0 =	simm.s32 @!p0 $0x10000;
	[sflag:s14] =	ssyncset.done $0x0  }
0x6e: {  	s31 =	rddreg [dreg:$0x7];
	s0 =	sadd.s32 s0, s6;
	[sflag:s14] =	ssyncadd.s32 $0xFFFFC000  }
0x6f: {  	[hbm4b:s0+s2] =	stream.linear.scatter [tilespmem:s31], [sflag:$0x7], $0x4000, $0x38;
	[tilespmem:$0x15C00] =	vst v63  }
0x70: {  	s29 =	smov.u32 s28;
	s0 =	sadd.s32 @p0 $0xFFFF0000, s24;
	_ =	swait.ge [sflag:s15], $0x4000  }
0x71: {  	s28 =	sadd.s32 $0x50000, s28;
	s0 =	simm.s32 @!p0 $0x20000;
	[sflag:s15] =	ssyncset.done $0x0  }
0x72: {  	s9 =	rddreg [dreg:$0x8];
	s0 =	sadd.s32 s0, s6;
	[sflag:s15] =	ssyncadd.s32 $0xFFFFC000  }
0x73: {  	[hbm4b:s0+s2] =	stream.linear.scatter [tilespmem:s9], [sflag:$0x8], $0x4000, $0x38;
	[tilespmem:$0x15C00] =	vst v63  }
0x74: {  	s8 =	sadd.s32 $0x5, s8;
	p1 =	sne.s32 s28, $0x350000;
	_ =	swait.ge [sflag:s16], $0x4000  }
.Ltmp0:
0x75: {  	s24 =	simm.s32 @!p0 $0x30000;
	[sflag:s16] =	ssyncset.done $0x0;
	(pc) =	sbr.rel @p1 .LBB2_2-.Ltmp0, $4  }
0x76: {  	s31 =	sadd.s32 s24, s6;
	s25 =	rddreg [dreg:$0x9];
	[sflag:s16] =	ssyncadd.s32 $0xFFFFC000  }
0x77: {  	[hbm4b:s31+s2] =	stream.linear.scatter [tilespmem:s25], [sflag:$0x9], $0x4000, $0x38;
	[tilespmem:$0x15C00] =	vst v63  }
0x78: {  	s26 =	sadd.s32 $0x280, s26;
	s24 =	smov.u32 s29;
	_ =	swait.ge [sflag:s17], $0x4000  }
0x79: {  	s30 =	sadd.s32 s30, s6;
	p0 =	sne.s32 s24, $0x30000;
	[sflag:s17] =	ssyncset.done $0x0  }
0x7a: {  	s0 =	simm.s32 @p0 $0x6;
	[sflag:s17] =	ssyncadd.s32 $0xFFFFC000  }
0x7b: {  	[hbm4b:s30+s2] =	stream.linear.scatter [tilespmem:s12], [sflag:$0xA], $0x4000, $0x38;
	[tilespmem:$0x15C00] =	vst v63  }
0x7c: {  	_ =	swait.ge @p0 [sflag:s0], $0x4000  }
0x7d: {  	s1 =	simm.s32 @p0 $0x1C00;
	s9 =	simm.s32 @p0 $0x7;
	[sflag:s0] =	ssyncset.done @p0 $0x0  }
0x7e: {  	s25 =	simm.s32 @p0 $0x80;
	[sflag:s0] =	ssyncadd.s32 @p0 $0xFFFFC000;
	s0 =	sadd.s32 @p0 $0xFFFFFE80, s26  }
0x7f: {  	[tilespmem:s1], [sflag:$0x1] =	stream.indirect.gather @p0 [hbm4b:s3+s25], $0x80, s0, s25, $0xb8;
	[tilespmem:$0x15C00] =	vst v63  }
0x80: {  	_ =	swait.ge @p0 [sflag:s9], $0x4000  }
0x81: {  	s0 =	simm.s32 @p0 $0x8;
	[sflag:s9] =	ssyncset.done @p0 $0x0  }
0x82: {  	s1 =	sadd.s32 @p0 $0xFFFFFF00, s26;
	[sflag:s9] =	ssyncadd.s32 @p0 $0xFFFFC000;
	s9 =	simm.s32 @p0 $0x5C00  }
0x83: {  	[tilespmem:s9], [sflag:$0x2] =	stream.indirect.gather @p0 [hbm4b:s3+s25], $0x80, s1, s25, $0xb8;
	[tilespmem:$0x15C00] =	vst v63  }
0x84: {  	_ =	swait.ge @p0 [sflag:s0], $0x4000  }
0x85: {  	s1 =	simm.s32 @p0 $0x9;
	[sflag:s0] =	ssyncset.done @p0 $0x0  }
0x86: {  	s9 =	simm.s32 @p0 $0x9C00;
	[sflag:s0] =	ssyncadd.s32 @p0 $0xFFFFC000;
	s0 =	sadd.s32 @p0 $0xFFFFFF80, s26  }
0x87: {  	[tilespmem:s9], [sflag:$0x3] =	stream.indirect.gather @p0 [hbm4b:s3+s25], $0x80, s0, s25, $0xb8;
	[tilespmem:$0x15C00] =	vst v63  }
0x88: {  	_ =	swait.ge @p0 [sflag:s1], $0x4000  }
0x89: {  	[sflag:s1] =	ssyncset.done @p0 $0x0  }
0x8a: {  	s0 =	simm.s32 @p0 $0xDC00;
	[sflag:s1] =	ssyncadd.s32 @p0 $0xFFFFC000;
	s1 =	simm.s32 @p0 $0xA  }
0x8b: {  	[tilespmem:s0], [sflag:$0x4] =	stream.indirect.gather @p0 [hbm4b:s3+s25], $0x80, s26, s25, $0xb8;
	[tilespmem:$0x15C00] =	vst v63  }
0x8c: {  	_ =	swait.ge @p0 [sflag:s1], $0x4000  }
0x8d: {  	s9 =	simm.s32 @!p0 $0x0;
	[sflag:s1] =	ssyncset.done @p0 $0x0  }
0x8e: {  	s0 =	simm.s32 @!p0 $0x1C00;
	[sflag:s1] =	ssyncadd.s32 @p0 $0xFFFFC000;
	s1 =	simm.s32 @!p0 $0x80  }
0x8f: {  	[tilespmem:s0], [sflag:$0x1] =	stream.indirect.gather @!p0 [hbm4b:s3+s1], $0x80, s9, s1, $0xb8;
	[tilespmem:$0x15C00] =	vst v63  }
0x90: {  	s0 =	simm.s32 @!p0 $0x5C00  }
0x91: {  	[tilespmem:s0], [sflag:$0x2] =	stream.indirect.gather @!p0 [hbm4b:s3+s1], $0x80, s1, s1, $0xb8;
	[tilespmem:$0x15C00] =	vst v63  }
0x92: {  	s8 =	simm.s32 @!p0 $0x4;
	s25 =	simm.s32 @!p0 $0x9C00;
	s0 =	simm.s32 @!p0 $0x100  }
0x93: {  	[tilespmem:s25], [sflag:$0x3] =	stream.indirect.gather @!p0 [hbm4b:s3+s1], $0x80, s0, s1, $0xb8;
	[tilespmem:$0x15C00] =	vst v63  }
0x94: {  	s30 =	sshll.u32 s8, $0x7;
	s9 =	simm.s32 @!p0 $0xDC00;
	s0 =	simm.s32 @!p0 $0x180  }
0x95: {  	[tilespmem:s9], [sflag:$0x4] =	stream.indirect.gather @!p0 [hbm4b:s3+s1], $0x80, s0, s1, $0xb8;
	[tilespmem:$0x15C00] =	vst v63  }
0x96: {  	s31 =	rddreg [dreg:$0x4];
	s1 =	sand.u32 $0x3FFFFF80, s30  }
0x97: {  	[tilespmem:s12], [sflag:$0x5] =	stream.indirect.gather [hbm4b:s3+s31], $0x80, s1, s31, $0xb8;
	[tilespmem:$0x15C00] =	vst v63  }
0x98: {  	_ =	swait.ge [sflag:s13], $0x4000  }
0x99: {  	s9 =	rddreg [dreg:$0x5]  }
0x9a: {  	[sflag:s13] =	ssyncset.done $0x0;
	s0 =	sadd.s32 s24, s9  }
0x9b: {  	s25 =	rddreg [dreg:$0x6];
	[sflag:s13] =	ssyncadd.s32 $0xFFFFC000;
	s0 =	sadd.s32 $0xFFFD0000, s0  }
0x9c: {  	[hbm4b:s0+s2] =	stream.linear.scatter [tilespmem:s25], [sflag:$0x6], $0x4000, $0x38;
	[tilespmem:$0x15C00] =	vst v63  }
0x9d: {  	s0 =	sadd.s32 @p0 $0xFFFE0000, s24;
	_ =	swait.ge [sflag:s14], $0x4000  }
0x9e: {  	s0 =	simm.s32 @!p0 $0x10000;
	[sflag:s14] =	ssyncset.done $0x0  }
0x9f: {  	s26 =	rddreg [dreg:$0x7];
	s0 =	sadd.s32 s0, s6;
	[sflag:s14] =	ssyncadd.s32 $0xFFFFC000  }
0xa0: {  	[hbm4b:s0+s2] =	stream.linear.scatter [tilespmem:s26], [sflag:$0x7], $0x4000, $0x38;
	[tilespmem:$0x15C00] =	vst v63  }
0xa1: {  	s0 =	sadd.s32 @p0 $0xFFFF0000, s24;
	_ =	swait.ge [sflag:s15], $0x4000  }
0xa2: {  	s0 =	simm.s32 @!p0 $0x20000;
	[sflag:s15] =	ssyncset.done $0x0  }
0xa3: {  	s28 =	rddreg [dreg:$0x8];
	s0 =	sadd.s32 s0, s6;
	[sflag:s15] =	ssyncadd.s32 $0xFFFFC000  }
0xa4: {  	[hbm4b:s0+s2] =	stream.linear.scatter [tilespmem:s28], [sflag:$0x8], $0x4000, $0x38;
	[tilespmem:$0x15C00] =	vst v63  }
0xa5: {  	_ =	swait.ge [sflag:s16], $0x4000  }
0xa6: {  	s24 =	simm.s32 @!p0 $0x30000;
	[sflag:s16] =	ssyncset.done $0x0  }
0xa7: {  	s30 =	sadd.s32 s24, s6;
	s29 =	rddreg [dreg:$0x9];
	[sflag:s16] =	ssyncadd.s32 $0xFFFFC000  }
0xa8: {  	[hbm4b:s30+s2] =	stream.linear.scatter [tilespmem:s29], [sflag:$0x9], $0x4000, $0x38;
	[tilespmem:$0x15C00] =	vst v63  }
0xa9: {  	_ =	swait.ge [sflag:s17], $0x4000  }
0xaa: {  	s31 =	sshll.u32 s8, $0x10;
	[sflag:s17] =	ssyncset.done $0x0  }
0xab: {  	s0 =	sadd.s32 s31, s6;
	[sflag:s17] =	ssyncadd.s32 $0xFFFFC000  }
0xac: {  	[hbm4b:s0+s2] =	stream.linear.scatter [tilespmem:s12], [sflag:$0xA], $0x4000, $0x38;
	[tilespmem:$0x15C00] =	vst v63  }
0xad: {  	_ =	swait.ge [sflag:s18], $0x4000  }
0xae: {  	[sflag:s18] =	ssyncset.done $0x0  }
0xaf: {  	[sflag:s18] =	ssyncadd.s32 $0xFFFFC000  }
0xb0: {  	_ =	swait.ge [sflag:s19], $0x4000  }
0xb1: {  	[sflag:s19] =	ssyncset.done $0x0  }
0xb2: {  	[sflag:s19] =	ssyncadd.s32 $0xFFFFC000  }
0xb3: {  	_ =	swait.ge [sflag:s20], $0x4000  }
0xb4: {  	[sflag:s20] =	ssyncset.done $0x0  }
0xb5: {  	s23 =	sadd.s32 $0x1, s23;
	[sflag:s20] =	ssyncadd.s32 $0xFFFFC000  }
0xb6: {  	p0 =	sne.s32 s23, s7;
	_ =	swait.ge [sflag:s21], $0x4000  }
.Ltmp1:
0xb7: {  	[sflag:s21] =	ssyncset.done $0x0;
	(pc) =	sbr.rel @p0 .LBB2_1-.Ltmp1, $4  }
0xb8: {  	[sflag:s21] =	ssyncadd.s32 $0xFFFFC000  }
0xb9: {  	_ =	swait.ge [sflag:s22], $0x4000  }
0xba: {  	[sflag:s22] =	ssyncset.done $0x0  }
0xbb: {  	[sflag:s22] =	ssyncadd.s32 $0xFFFFC000  }
0xbc: {  	_ =	sfence.sel $0x180000  }
0xbd: {  	[bflag:$0x0] =	sbarrier.arrive $0xFFFF  }
0xbe: {  	_ =	strace $0x90000047  }
0xbf: {  	s0 =	stileid.u32;
	[bflag:$0x2] =	sbarrier.arrive $0xFFFF  }
0xc0: {  	p0 =	sne.s32 s0, $0x0;
	s0 =	rddreg [dreg:$0x3]  }
0xc1: {  	s0 =	sadd.s32 @!p0 $0x100000, s0  }
0xc2: {  	[sflag:s0] =	ssyncadd.tile.s32 @!p0 $0x1;
	_ =	shalt  }
.Lfunc_end2:
_tile_overlayer_lowered:
.L_overlay_start_2:
0xc3: {  	(tag) =	ssettag $0x2  }
0xc4: {  	s0 =	rddreg [dreg:$0x0];
	s2 =	stileid.u32  }
0xc5: {  	s1 =	rddreg [dreg:$0x1];
	p0 =	sne.s32 s2, $0x0  }
0xc6: {  	s3 =	rddreg [dreg:$0x2];
	[bflag:$0x3] =	sbarrier.arrive $0xFFFF;
	s2 =	simm.s32 @!p0 $0x1C0B  }
0xc7: {  	[timem:s3], [sflag:s2] =	dma.local @!p0 [hbm:s0], s1  }
0xc8: {  	s0 =	simm.s32 @!p0 $0xB  }
0xc9: {  	_ =	swait.ge @!p0 [sflag:s0], s1  }
0xca: {  	s1 =	ssub.s32 @!p0 $0x0, s1;
	[sflag:s0] =	ssyncset.done @!p0 $0x0  }
0xcb: {  	[sflag:s0] =	ssyncadd.s32 @!p0 s1  }
0xcc: {  	[bflag:$0x3] =	sbarrier.arrive $0xFFFF  }
0xcd: {  	_ =	shalt  }

</sc_bundles>
